<compile_context>
chip_gen: v7x
topology: tpu7x:2x2x1
jax: 0.10.2.dev20260603
libtpu: 0.0.44.dev20260713+nightly
codegen_flags: <defaults>
</compile_context>

<pallas_src>
import functools

import jax
import jax.numpy as jnp
from jax import lax
from jax.experimental import pallas as pl
from jax.experimental.pallas import tpu as pltpu
from jax.experimental.pallas import tpu_sc as plsc

B = 16
C = 5
H = 512
W = 512
BT = 11
BS = B - BT
NW = 32
ROWS = H // NW
L = 16
U = 4
JW = W // (L * U)

_mesh = plsc.VectorSubcoreMesh(core_axis_name="c", subcore_axis_name="s")


def _sc_body(pred_hbm, heart_hbm, out_hbm,
             h0, p0, h1, p1,
             out_v, sem_a, sem_b):
    bufs = ((h0, p0, sem_a), (h1, p1, sem_b))
    wid = lax.axis_index("s") * 2 + lax.axis_index("c")
    row0 = wid * ROWS

    zero = jnp.zeros((L,), jnp.float32)
    one = jnp.ones((L,), jnp.float32)

    def issue(b, slot):
        h_v, p_v, sem = bufs[slot]
        return [
            pltpu.async_copy(heart_hbm.at[b, pl.ds(row0, ROWS), :], h_v, sem),
            pltpu.async_copy(
                pred_hbm.at[b, pl.ds(1, 4), pl.ds(row0, ROWS), :], p_v, sem),
        ]

    def compute(slot, accs):
        h_v, p_v, _ = bufs[slot]

        def row_body(r, acc_r):
            def vec_body(j, acc2):
                a0, a1, a2, a3, a4 = acc2
                base = j * (L * U)
                for u in range(U):
                    s = pl.ds(base + u * L, L)
                    m = h_v[r, s] == 1
                    a0 = a0 + jnp.where(m, p_v[0, r, s], zero)
                    a1 = a1 + jnp.where(m, p_v[1, r, s], zero)
                    a2 = a2 + jnp.where(m, p_v[2, r, s], zero)
                    a3 = a3 + jnp.where(m, p_v[3, r, s], zero)
                    a4 = a4 + jnp.where(m, one, zero)
                return (a0, a1, a2, a3, a4)

            return lax.fori_loop(0, JW, vec_body, acc_r)

        return lax.fori_loop(0, ROWS, row_body, accs)

    accs = (zero,) * 5
    cps = issue(BT, 0)
    for i, b in enumerate(range(BT, B)):
        if b + 1 < B:
            nxt = issue(b + 1, (i + 1) % 2)
        for cp in cps:
            cp.wait()
        accs = compute(i % 2, accs)
        if b + 1 < B:
            cps = nxt

    a0, a1, a2, a3, a4 = accs
    out_v[0, :] = a0
    out_v[1, :] = a1
    out_v[2, :] = a2
    out_v[3, :] = a3
    out_v[4, :] = a4
    pltpu.sync_copy(out_v, out_hbm.at[wid])


_sc_call = functools.partial(
    pl.kernel,
    out_type=jax.ShapeDtypeStruct((NW, 5, L), jnp.float32),
    mesh=_mesh,
    scratch_types=[
        pltpu.VMEM((ROWS, W), jnp.int32),
        pltpu.VMEM((4, ROWS, W), jnp.float32),
        pltpu.VMEM((ROWS, W), jnp.int32),
        pltpu.VMEM((4, ROWS, W), jnp.float32),
        pltpu.VMEM((5, L), jnp.float32),
        pltpu.SemaphoreType.DMA,
        pltpu.SemaphoreType.DMA,
    ],
)(_sc_body)


def _make_tc_call(nb, b0):
    def body(h_ref, p1_ref, p2_ref, p3_ref, p4_ref, out_ref, acc_ref):
        b = pl.program_id(0)
        mf = (h_ref[0, 0] == 1).astype(jnp.float32)
        s0 = jnp.sum(p1_ref[0, 0] * mf)
        s1 = jnp.sum(p2_ref[0, 0] * mf)
        s2 = jnp.sum(p3_ref[0, 0] * mf)
        s3 = jnp.sum(p4_ref[0, 0] * mf)
        s4 = jnp.sum(mf)

        @pl.when(b == 0)
        def _():
            acc_ref[0] = s0
            acc_ref[1] = s1
            acc_ref[2] = s2
            acc_ref[3] = s3
            acc_ref[4] = s4

        @pl.when(b != 0)
        def _():
            acc_ref[0] += s0
            acc_ref[1] += s1
            acc_ref[2] += s2
            acc_ref[3] += s3
            acc_ref[4] += s4

        @pl.when(b == nb - 1)
        def _():
            for i in range(5):
                out_ref[0, 0, i] = acc_ref[i]

    return pl.pallas_call(
        body,
        grid=(nb,),
        in_specs=[
            pl.BlockSpec((1, 1, H, W), lambda b: (b + b0, 0, 0, 0)),
            pl.BlockSpec((1, 1, H, W), lambda b: (b + b0, 1, 0, 0)),
            pl.BlockSpec((1, 1, H, W), lambda b: (b + b0, 2, 0, 0)),
            pl.BlockSpec((1, 1, H, W), lambda b: (b + b0, 3, 0, 0)),
            pl.BlockSpec((1, 1, H, W), lambda b: (b + b0, 4, 0, 0)),
        ],
        out_specs=pl.BlockSpec((1, 1, 8), lambda b: (0, 0, 0),
                               memory_space=pltpu.SMEM),
        out_shape=jax.ShapeDtypeStruct((1, 1, 8), jnp.float32),
        scratch_shapes=[pltpu.SMEM((8,), jnp.float32)],
    )


BTA = 3
_tc_call_a = _make_tc_call(BTA, 0)
_tc_call_b = _make_tc_call(BT - BTA, BTA)


@jax.jit
def kernel(predictions, heart):
    heart3d = jnp.squeeze(heart, axis=1)
    tc_a = _tc_call_a(heart, predictions, predictions,
                      predictions, predictions)
    sc_partials = _sc_call(predictions, heart3d)
    tc_b = _tc_call_b(heart, predictions, predictions,
                      predictions, predictions)
    sums = (jnp.sum(sc_partials, axis=(0, 2))
            + tc_a[0, 0, :5] + tc_b[0, 0, :5])
    n = sums[4]
    probs = sums[:4] / n
    return jnp.mean((probs - jnp.float32(0.25)) ** 2)

# --- scband reference (transcript-rebuilt; emitter-appended) ---
"""Pipeline reference for scband-probs-26740466385352 (READ-ONLY COPY).

The authoritative reference and input builder live on the scoring server;
editing this copy changes nothing except your own understanding.
"""

import jax, jax.numpy as jnp
import numpy as np


def setup_inputs(seed: int = 0) -> dict:
    key = jax.random.key(seed)
    k1, k2 = jax.random.split(key)
    predictions = jax.random.normal(k1, (16, 5, 512, 512), dtype=jnp.float32)
    heart = jax.random.randint(k2, (16, 1, 512, 512), 0, 2).astype(jnp.int32)
    return {"predictions": predictions, "heart": heart}


def reference(predictions, heart):
    # Boolean mask over spatial locations inside the heart ROI.
    mask = (heart[:, 0, ...] == 1)
    maskf = mask.astype(predictions.dtype)
    N = jnp.sum(maskf)
    # torch: predictions[:, c, ...][mask] gathers masked pixels; sum over them.
    # Equivalent static-shape form: sum(predictions[:, c] * maskf).
    sums = jnp.stack([
        jnp.sum(predictions[:, 1, ...] * maskf),
        jnp.sum(predictions[:, 2, ...] * maskf),
        jnp.sum(predictions[:, 3, ...] * maskf),
        jnp.sum(predictions[:, 4, ...] * maskf),
    ])
    probs = sums / N
    probs_gt = jnp.ones(4, dtype=predictions.dtype) / 4.0
    probs_loss = jnp.mean((probs - probs_gt) ** 2)
    return probs_loss

if __name__ == "__main__":
    import jax
    _d = setup_inputs()
    print(jax.jit(kernel)(*tuple(_d.values())))

</pallas_src>

<mosaic_0001>
#map = affine_map<(d0, d1) -> (0, 0, 0, 0)>
#map1 = affine_map<(d0, d1) -> (0, 0, 0)>
module attributes {stable_mosaic.version = 14 : i64} {
  func.func @_sc_body(%arg0: i32, %arg1: i32, %arg2: memref<16x5x512x512xf32, #tpu.memory_space<hbm>>, %arg3: memref<16x512x512xi32, #tpu.memory_space<hbm>>, %arg4: memref<32x5x16xf32, #tpu.memory_space<hbm>>, %arg5: memref<16x512xi32, #tpu.memory_space<vmem>>, %arg6: memref<4x16x512xf32, #tpu.memory_space<vmem>>, %arg7: memref<16x512xi32, #tpu.memory_space<vmem>>, %arg8: memref<4x16x512xf32, #tpu.memory_space<vmem>>, %arg9: memref<5x16xf32, #tpu.memory_space<vmem>>, %arg10: memref<!tpu.dma_semaphore, #tpu.memory_space<semaphore_mem>>, %arg11: memref<!tpu.dma_semaphore, #tpu.memory_space<semaphore_mem>>) attributes {dimension_semantics = [#tpu.dimension_semantics<core_parallel>, #tpu.dimension_semantics<subcore_parallel>], iteration_bounds = array<i64: 2, 16>, scalar_prefetch = 0 : i64, scratch_operands = 7 : i64, tpu.core_type = #tpu.core_type<sc_vector_subcore>, window_params = [{transform_indices = #map}, {transform_indices = #map1}, {transform_indices = #map1}]} {
    %mul3A = arith.constant 2 : i32
    %mul3A_0 = arith.muli %arg1, %mul3A : i32
    %add3A = arith.addi %mul3A_0, %arg0 : i32
    %mul3A_1 = arith.constant 16 : i32
    %mul3A_2 = arith.muli %add3A, %mul3A_1 : i32
    %broadcast_in_dim3A = arith.constant 0.000000e+00 : f32
    %broadcast_in_dim3A_3 = vector.broadcast %broadcast_in_dim3A : f32 to vector<16xf32>
    %broadcast_in_dim3A_4 = arith.constant 1.000000e+00 : f32
    %broadcast_in_dim3A_5 = vector.broadcast %broadcast_in_dim3A_4 : f32 to vector<16xf32>
    %dma_start3A = arith.constant 11 : i32
    %dma_start3A_6 = arith.constant 0 : i32
    %dma_start3A_7 = tpu.memref_slice %arg3[%dma_start3A, %mul3A_2, %dma_start3A_6] : memref<16x512x512xi32, #tpu.memory_space<hbm>> -> memref<1x16x512xi32, #tpu.memory_space<hbm>>
    %dma_start3A_8 = tpu.memref_squeeze %dma_start3A_7 : memref<1x16x512xi32, #tpu.memory_space<hbm>> -> memref<16x512xi32, #tpu.memory_space<hbm>>
    %dma_start3A_9 = arith.constant 0 : i32
    %dma_start3A_10 = tpu.memref_slice %arg3[%dma_start3A, %mul3A_2, %dma_start3A_9] : memref<16x512x512xi32, #tpu.memory_space<hbm>> -> memref<1x16x512xi32, #tpu.memory_space<hbm>>
    %dma_start3A_11 = tpu.memref_squeeze %dma_start3A_10 : memref<1x16x512xi32, #tpu.memory_space<hbm>> -> memref<16x512xi32, #tpu.memory_space<hbm>>
    tpu.enqueue_dma source(%dma_start3A_11 : memref<16x512xi32, #tpu.memory_space<hbm>>) target(%arg5 : memref<16x512xi32, #tpu.memory_space<vmem>>) target_semaphore(%arg10 : memref<!tpu.dma_semaphore, #tpu.memory_space<semaphore_mem>>)
    %dma_start3A_12 = arith.constant 11 : i32
    %dma_start3A_13 = arith.constant 1 : i32
    %dma_start3A_14 = arith.constant 0 : i32
    %dma_start3A_15 = tpu.memref_slice %arg2[%dma_start3A_12, %dma_start3A_13, %mul3A_2, %dma_start3A_14] : memref<16x5x512x512xf32, #tpu.memory_space<hbm>> -> memref<1x4x16x512xf32, #tpu.memory_space<hbm>>
    %dma_start3A_16 = tpu.memref_squeeze %dma_start3A_15 : memref<1x4x16x512xf32, #tpu.memory_space<hbm>> -> memref<4x16x512xf32, #tpu.memory_space<hbm>>
    %dma_start3A_17 = arith.constant 1 : i32
    %dma_start3A_18 = arith.constant 0 : i32
    %dma_start3A_19 = tpu.memref_slice %arg2[%dma_start3A_12, %dma_start3A_17, %mul3A_2, %dma_start3A_18] : memref<16x5x512x512xf32, #tpu.memory_space<hbm>> -> memref<1x4x16x512xf32, #tpu.memory_space<hbm>>
    %dma_start3A_20 = tpu.memref_squeeze %dma_start3A_19 : memref<1x4x16x512xf32, #tpu.memory_space<hbm>> -> memref<4x16x512xf32, #tpu.memory_space<hbm>>
    tpu.enqueue_dma source(%dma_start3A_20 : memref<4x16x512xf32, #tpu.memory_space<hbm>>) target(%arg6 : memref<4x16x512xf32, #tpu.memory_space<vmem>>) target_semaphore(%arg10 : memref<!tpu.dma_semaphore, #tpu.memory_space<semaphore_mem>>)
    %dma_start3A_21 = arith.constant 12 : i32
    %dma_start3A_22 = arith.constant 0 : i32
    %dma_start3A_23 = tpu.memref_slice %arg3[%dma_start3A_21, %mul3A_2, %dma_start3A_22] : memref<16x512x512xi32, #tpu.memory_space<hbm>> -> memref<1x16x512xi32, #tpu.memory_space<hbm>>
    %dma_start3A_24 = tpu.memref_squeeze %dma_start3A_23 : memref<1x16x512xi32, #tpu.memory_space<hbm>> -> memref<16x512xi32, #tpu.memory_space<hbm>>
    %dma_start3A_25 = arith.constant 0 : i32
    %dma_start3A_26 = tpu.memref_slice %arg3[%dma_start3A_21, %mul3A_2, %dma_start3A_25] : memref<16x512x512xi32, #tpu.memory_space<hbm>> -> memref<1x16x512xi32, #tpu.memory_space<hbm>>
    %dma_start3A_27 = tpu.memref_squeeze %dma_start3A_26 : memref<1x16x512xi32, #tpu.memory_space<hbm>> -> memref<16x512xi32, #tpu.memory_space<hbm>>
    tpu.enqueue_dma source(%dma_start3A_27 : memref<16x512xi32, #tpu.memory_space<hbm>>) target(%arg7 : memref<16x512xi32, #tpu.memory_space<vmem>>) target_semaphore(%arg11 : memref<!tpu.dma_semaphore, #tpu.memory_space<semaphore_mem>>)
    %dma_start3A_28 = arith.constant 12 : i32
    %dma_start3A_29 = arith.constant 1 : i32
    %dma_start3A_30 = arith.constant 0 : i32
    %dma_start3A_31 = tpu.memref_slice %arg2[%dma_start3A_28, %dma_start3A_29, %mul3A_2, %dma_start3A_30] : memref<16x5x512x512xf32, #tpu.memory_space<hbm>> -> memref<1x4x16x512xf32, #tpu.memory_space<hbm>>
    %dma_start3A_32 = tpu.memref_squeeze %dma_start3A_31 : memref<1x4x16x512xf32, #tpu.memory_space<hbm>> -> memref<4x16x512xf32, #tpu.memory_space<hbm>>
    %dma_start3A_33 = arith.constant 1 : i32
    %dma_start3A_34 = arith.constant 0 : i32
    %dma_start3A_35 = tpu.memref_slice %arg2[%dma_start3A_28, %dma_start3A_33, %mul3A_2, %dma_start3A_34] : memref<16x5x512x512xf32, #tpu.memory_space<hbm>> -> memref<1x4x16x512xf32, #tpu.memory_space<hbm>>
    %dma_start3A_36 = tpu.memref_squeeze %dma_start3A_35 : memref<1x4x16x512xf32, #tpu.memory_space<hbm>> -> memref<4x16x512xf32, #tpu.memory_space<hbm>>
    tpu.enqueue_dma source(%dma_start3A_36 : memref<4x16x512xf32, #tpu.memory_space<hbm>>) target(%arg8 : memref<4x16x512xf32, #tpu.memory_space<vmem>>) target_semaphore(%arg11 : memref<!tpu.dma_semaphore, #tpu.memory_space<semaphore_mem>>)
    %dma_wait3A = arith.constant 11 : i32
    %dma_wait3A_37 = arith.constant 0 : i32
    %dma_wait3A_38 = tpu.memref_slice %arg3[%dma_wait3A, %mul3A_2, %dma_wait3A_37] : memref<16x512x512xi32, #tpu.memory_space<hbm>> -> memref<1x16x512xi32, #tpu.memory_space<hbm>>
    %dma_wait3A_39 = tpu.memref_squeeze %dma_wait3A_38 : memref<1x16x512xi32, #tpu.memory_space<hbm>> -> memref<16x512xi32, #tpu.memory_space<hbm>>
    %dma_wait3A_40 = arith.constant 0 : i32
    %dma_wait3A_41 = tpu.memref_slice %arg3[%dma_wait3A, %mul3A_2, %dma_wait3A_40] : memref<16x512x512xi32, #tpu.memory_space<hbm>> -> memref<1x16x512xi32, #tpu.memory_space<hbm>>
    %dma_wait3A_42 = tpu.memref_squeeze %dma_wait3A_41 : memref<1x16x512xi32, #tpu.memory_space<hbm>> -> memref<16x512xi32, #tpu.memory_space<hbm>>
    tpu.wait_dma2 semaphore(%arg10 : memref<!tpu.dma_semaphore, #tpu.memory_space<semaphore_mem>>) src(%dma_wait3A_42 : memref<16x512xi32, #tpu.memory_space<hbm>>) dst(%arg5 : memref<16x512xi32, #tpu.memory_space<vmem>>)
    %dma_wait3A_43 = arith.constant 11 : i32
    %dma_wait3A_44 = arith.constant 1 : i32
    %dma_wait3A_45 = arith.constant 0 : i32
    %dma_wait3A_46 = tpu.memref_slice %arg2[%dma_wait3A_43, %dma_wait3A_44, %mul3A_2, %dma_wait3A_45] : memref<16x5x512x512xf32, #tpu.memory_space<hbm>> -> memref<1x4x16x512xf32, #tpu.memory_space<hbm>>
    %dma_wait3A_47 = tpu.memref_squeeze %dma_wait3A_46 : memref<1x4x16x512xf32, #tpu.memory_space<hbm>> -> memref<4x16x512xf32, #tpu.memory_space<hbm>>
    %dma_wait3A_48 = arith.constant 1 : i32
    %dma_wait3A_49 = arith.constant 0 : i32
    %dma_wait3A_50 = tpu.memref_slice %arg2[%dma_wait3A_43, %dma_wait3A_48, %mul3A_2, %dma_wait3A_49] : memref<16x5x512x512xf32, #tpu.memory_space<hbm>> -> memref<1x4x16x512xf32, #tpu.memory_space<hbm>>
    %dma_wait3A_51 = tpu.memref_squeeze %dma_wait3A_50 : memref<1x4x16x512xf32, #tpu.memory_space<hbm>> -> memref<4x16x512xf32, #tpu.memory_space<hbm>>
    tpu.wait_dma2 semaphore(%arg10 : memref<!tpu.dma_semaphore, #tpu.memory_space<semaphore_mem>>) src(%dma_wait3A_51 : memref<4x16x512xf32, #tpu.memory_space<hbm>>) dst(%arg6 : memref<4x16x512xf32, #tpu.memory_space<vmem>>)
    %scan3A = arith.constant 0 : i32
    %scan3A_52 = arith.constant 16 : i32
    %scan3A_53 = arith.addi %scan3A, %scan3A_52 : i32
    %scan3A_54 = arith.constant 1 : i32
    %scan3A_55:5 = scf.for %scan3A_222 = %scan3A to %scan3A_53 step %scan3A_54 iter_args(%scan3A_223 = %broadcast_in_dim3A_3, %scan3A_224 = %broadcast_in_dim3A_3, %scan3A_225 = %broadcast_in_dim3A_3, %scan3A_226 = %broadcast_in_dim3A_3, %scan3A_227 = %broadcast_in_dim3A_3) -> (vector<16xf32>, vector<16xf32>, vector<16xf32>, vector<16xf32>, vector<16xf32>)  : i32 {
      %scan3A_228 = arith.constant 0 : i32
      %scan3A_229 = arith.constant 8 : i32
      %scan3A_230 = arith.addi %scan3A_228, %scan3A_229 : i32
      %scan3A_231 = arith.constant 1 : i32
      %scan3A_232:5 = scf.for %scan3A_234 = %scan3A_228 to %scan3A_230 step %scan3A_231 iter_args(%scan3A_235 = %scan3A_223, %scan3A_236 = %scan3A_224, %scan3A_237 = %scan3A_225, %scan3A_238 = %scan3A_226, %scan3A_239 = %scan3A_227) -> (vector<16xf32>, vector<16xf32>, vector<16xf32>, vector<16xf32>, vector<16xf32>)  : i32 {
        %mul3A_240 = arith.constant 64 : i32
        %mul3A_241 = arith.muli %scan3A_234, %mul3A_240 : i32
        %add3A_242 = arith.constant 0 : i32
        %add3A_243 = arith.addi %mul3A_241, %add3A_242 : i32
        %get3A = arith.index_cast %scan3A_222 : i32 to index
        %get3A_244 = arith.index_cast %add3A_243 : i32 to index
        %get3A_245 = tpu.vector_load %arg5[%get3A, %get3A_244] {strides = array<i32>} : memref<16x512xi32, #tpu.memory_space<vmem>>, vector<1x16xi32>,
        %get3A_246 = vector.shape_cast %get3A_245 : vector<1x16xi32> to vector<16xi32>
        %eq3A = arith.constant 1 : i32
        %eq3A_247 = vector.broadcast %eq3A : i32 to vector<16xi32>
        %eq3A_248 = arith.cmpi eq, %get3A_246, %eq3A_247 : vector<16xi32>
        %get3A_249 = arith.constant 0 : i32
        %get3A_250 = arith.index_cast %get3A_249 : i32 to index
        %get3A_251 = arith.index_cast %scan3A_222 : i32 to index
        %get3A_252 = arith.index_cast %add3A_243 : i32 to index
        %get3A_253 = tpu.vector_load %arg6[%get3A_250, %get3A_251, %get3A_252] {strides = array<i32>} : memref<4x16x512xf32, #tpu.memory_space<vmem>>, vector<1x1x16xf32>,
        %get3A_254 = vector.shape_cast %get3A_253 : vector<1x1x16xf32> to vector<16xf32>
        %select_n3A = arith.select %eq3A_248, %get3A_254, %broadcast_in_dim3A_3 : vector<16xi1>, vector<16xf32>
        %add3A_255 = arith.addf %scan3A_235, %select_n3A : vector<16xf32>
        %get3A_256 = arith.constant 1 : i32
        %get3A_257 = arith.index_cast %get3A_256 : i32 to index
        %get3A_258 = arith.index_cast %scan3A_222 : i32 to index
        %get3A_259 = arith.index_cast %add3A_243 : i32 to index
        %get3A_260 = tpu.vector_load %arg6[%get3A_257, %get3A_258, %get3A_259] {strides = array<i32>} : memref<4x16x512xf32, #tpu.memory_space<vmem>>, vector<1x1x16xf32>,
        %get3A_261 = vector.shape_cast %get3A_260 : vector<1x1x16xf32> to vector<16xf32>
        %select_n3A_262 = arith.select %eq3A_248, %get3A_261, %broadcast_in_dim3A_3 : vector<16xi1>, vector<16xf32>
        %add3A_263 = arith.addf %scan3A_236, %select_n3A_262 : vector<16xf32>
        %get3A_264 = arith.constant 2 : i32
        %get3A_265 = arith.index_cast %get3A_264 : i32 to index
        %get3A_266 = arith.index_cast %scan3A_222 : i32 to index
        %get3A_267 = arith.index_cast %add3A_243 : i32 to index
        %get3A_268 = tpu.vector_load %arg6[%get3A_265, %get3A_266, %get3A_267] {strides = array<i32>} : memref<4x16x512xf32, #tpu.memory_space<vmem>>, vector<1x1x16xf32>,
        %get3A_269 = vector.shape_cast %get3A_268 : vector<1x1x16xf32> to vector<16xf32>
        %select_n3A_270 = arith.select %eq3A_248, %get3A_269, %broadcast_in_dim3A_3 : vector<16xi1>, vector<16xf32>
        %add3A_271 = arith.addf %scan3A_237, %select_n3A_270 : vector<16xf32>
        %get3A_272 = arith.constant 3 : i32
        %get3A_273 = arith.index_cast %get3A_272 : i32 to index
        %get3A_274 = arith.index_cast %scan3A_222 : i32 to index
        %get3A_275 = arith.index_cast %add3A_243 : i32 to index
        %get3A_276 = tpu.vector_load %arg6[%get3A_273, %get3A_274, %get3A_275] {strides = array<i32>} : memref<4x16x512xf32, #tpu.memory_space<vmem>>, vector<1x1x16xf32>,
        %get3A_277 = vector.shape_cast %get3A_276 : vector<1x1x16xf32> to vector<16xf32>
        %select_n3A_278 = arith.select %eq3A_248, %get3A_277, %broadcast_in_dim3A_3 : vector<16xi1>, vector<16xf32>
        %add3A_279 = arith.addf %scan3A_238, %select_n3A_278 : vector<16xf32>
        %select_n3A_280 = arith.select %eq3A_248, %broadcast_in_dim3A_5, %broadcast_in_dim3A_3 : vector<16xi1>, vector<16xf32>
        %add3A_281 = arith.addf %scan3A_239, %select_n3A_280 : vector<16xf32>
        %add3A_282 = arith.constant 16 : i32
        %add3A_283 = arith.addi %mul3A_241, %add3A_282 : i32
        %get3A_284 = arith.index_cast %scan3A_222 : i32 to index
        %get3A_285 = arith.index_cast %add3A_283 : i32 to index
        %get3A_286 = tpu.vector_load %arg5[%get3A_284, %get3A_285] {strides = array<i32>} : memref<16x512xi32, #tpu.memory_space<vmem>>, vector<1x16xi32>,
        %get3A_287 = vector.shape_cast %get3A_286 : vector<1x16xi32> to vector<16xi32>
        %eq3A_288 = arith.constant 1 : i32
        %eq3A_289 = vector.broadcast %eq3A_288 : i32 to vector<16xi32>
        %eq3A_290 = arith.cmpi eq, %get3A_287, %eq3A_289 : vector<16xi32>
        %get3A_291 = arith.constant 0 : i32
        %get3A_292 = arith.index_cast %get3A_291 : i32 to index
        %get3A_293 = arith.index_cast %scan3A_222 : i32 to index
        %get3A_294 = arith.index_cast %add3A_283 : i32 to index
        %get3A_295 = tpu.vector_load %arg6[%get3A_292, %get3A_293, %get3A_294] {strides = array<i32>} : memref<4x16x512xf32, #tpu.memory_space<vmem>>, vector<1x1x16xf32>,
        %get3A_296 = vector.shape_cast %get3A_295 : vector<1x1x16xf32> to vector<16xf32>
        %select_n3A_297 = arith.select %eq3A_290, %get3A_296, %broadcast_in_dim3A_3 : vector<16xi1>, vector<16xf32>
        %add3A_298 = arith.addf %add3A_255, %select_n3A_297 : vector<16xf32>
        %get3A_299 = arith.constant 1 : i32
        %get3A_300 = arith.index_cast %get3A_299 : i32 to index
        %get3A_301 = arith.index_cast %scan3A_222 : i32 to index
        %get3A_302 = arith.index_cast %add3A_283 : i32 to index
        %get3A_303 = tpu.vector_load %arg6[%get3A_300, %get3A_301, %get3A_302] {strides = array<i32>} : memref<4x16x512xf32, #tpu.memory_space<vmem>>, vector<1x1x16xf32>,
        %get3A_304 = vector.shape_cast %get3A_303 : vector<1x1x16xf32> to vector<16xf32>
        %select_n3A_305 = arith.select %eq3A_290, %get3A_304, %broadcast_in_dim3A_3 : vector<16xi1>, vector<16xf32>
        %add3A_306 = arith.addf %add3A_263, %select_n3A_305 : vector<16xf32>
        %get3A_307 = arith.constant 2 : i32
        %get3A_308 = arith.index_cast %get3A_307 : i32 to index
        %get3A_309 = arith.index_cast %scan3A_222 : i32 to index
        %get3A_310 = arith.index_cast %add3A_283 : i32 to index
        %get3A_311 = tpu.vector_load %arg6[%get3A_308, %get3A_309, %get3A_310] {strides = array<i32>} : memref<4x16x512xf32, #tpu.memory_space<vmem>>, vector<1x1x16xf32>,
        %get3A_312 = vector.shape_cast %get3A_311 : vector<1x1x16xf32> to vector<16xf32>
        %select_n3A_313 = arith.select %eq3A_290, %get3A_312, %broadcast_in_dim3A_3 : vector<16xi1>, vector<16xf32>
        %add3A_314 = arith.addf %add3A_271, %select_n3A_313 : vector<16xf32>
        %get3A_315 = arith.constant 3 : i32
        %get3A_316 = arith.index_cast %get3A_315 : i32 to index
        %get3A_317 = arith.index_cast %scan3A_222 : i32 to index
        %get3A_318 = arith.index_cast %add3A_283 : i32 to index
        %get3A_319 = tpu.vector_load %arg6[%get3A_316, %get3A_317, %get3A_318] {strides = array<i32>} : memref<4x16x512xf32, #tpu.memory_space<vmem>>, vector<1x1x16xf32>,
        %get3A_320 = vector.shape_cast %get3A_319 : vector<1x1x16xf32> to vector<16xf32>
        %select_n3A_321 = arith.select %eq3A_290, %get3A_320, %broadcast_in_dim3A_3 : vector<16xi1>, vector<16xf32>
        %add3A_322 = arith.addf %add3A_279, %select_n3A_321 : vector<16xf32>
        %select_n3A_323 = arith.select %eq3A_290, %broadcast_in_dim3A_5, %broadcast_in_dim3A_3 : vector<16xi1>, vector<16xf32>
        %add3A_324 = arith.addf %add3A_281, %select_n3A_323 : vector<16xf32>
        %add3A_325 = arith.constant 32 : i32
        %add3A_326 = arith.addi %mul3A_241, %add3A_325 : i32
        %get3A_327 = arith.index_cast %scan3A_222 : i32 to index
        %get3A_328 = arith.index_cast %add3A_326 : i32 to index
        %get3A_329 = tpu.vector_load %arg5[%get3A_327, %get3A_328] {strides = array<i32>} : memref<16x512xi32, #tpu.memory_space<vmem>>, vector<1x16xi32>,
        %get3A_330 = vector.shape_cast %get3A_329 : vector<1x16xi32> to vector<16xi32>
        %eq3A_331 = arith.constant 1 : i32
        %eq3A_332 = vector.broadcast %eq3A_331 : i32 to vector<16xi32>
        %eq3A_333 = arith.cmpi eq, %get3A_330, %eq3A_332 : vector<16xi32>
        %get3A_334 = arith.constant 0 : i32
        %get3A_335 = arith.index_cast %get3A_334 : i32 to index
        %get3A_336 = arith.index_cast %scan3A_222 : i32 to index
        %get3A_337 = arith.index_cast %add3A_326 : i32 to index
        %get3A_338 = tpu.vector_load %arg6[%get3A_335, %get3A_336, %get3A_337] {strides = array<i32>} : memref<4x16x512xf32, #tpu.memory_space<vmem>>, vector<1x1x16xf32>,
        %get3A_339 = vector.shape_cast %get3A_338 : vector<1x1x16xf32> to vector<16xf32>
        %select_n3A_340 = arith.select %eq3A_333, %get3A_339, %broadcast_in_dim3A_3 : vector<16xi1>, vector<16xf32>
        %add3A_341 = arith.addf %add3A_298, %select_n3A_340 : vector<16xf32>
        %get3A_342 = arith.constant 1 : i32
        %get3A_343 = arith.index_cast %get3A_342 : i32 to index
        %get3A_344 = arith.index_cast %scan3A_222 : i32 to index
        %get3A_345 = arith.index_cast %add3A_326 : i32 to index
        %get3A_346 = tpu.vector_load %arg6[%get3A_343, %get3A_344, %get3A_345] {strides = array<i32>} : memref<4x16x512xf32, #tpu.memory_space<vmem>>, vector<1x1x16xf32>,
        %get3A_347 = vector.shape_cast %get3A_346 : vector<1x1x16xf32> to vector<16xf32>
        %select_n3A_348 = arith.select %eq3A_333, %get3A_347, %broadcast_in_dim3A_3 : vector<16xi1>, vector<16xf32>
        %add3A_349 = arith.addf %add3A_306, %select_n3A_348 : vector<16xf32>
        %get3A_350 = arith.constant 2 : i32
        %get3A_351 = arith.index_cast %get3A_350 : i32 to index
        %get3A_352 = arith.index_cast %scan3A_222 : i32 to index
        %get3A_353 = arith.index_cast %add3A_326 : i32 to index
        %get3A_354 = tpu.vector_load %arg6[%get3A_351, %get3A_352, %get3A_353] {strides = array<i32>} : memref<4x16x512xf32, #tpu.memory_space<vmem>>, vector<1x1x16xf32>,
        %get3A_355 = vector.shape_cast %get3A_354 : vector<1x1x16xf32> to vector<16xf32>
        %select_n3A_356 = arith.select %eq3A_333, %get3A_355, %broadcast_in_dim3A_3 : vector<16xi1>, vector<16xf32>
        %add3A_357 = arith.addf %add3A_314, %select_n3A_356 : vector<16xf32>
        %get3A_358 = arith.constant 3 : i32
        %get3A_359 = arith.index_cast %get3A_358 : i32 to index
        %get3A_360 = arith.index_cast %scan3A_222 : i32 to index
        %get3A_361 = arith.index_cast %add3A_326 : i32 to index
        %get3A_362 = tpu.vector_load %arg6[%get3A_359, %get3A_360, %get3A_361] {strides = array<i32>} : memref<4x16x512xf32, #tpu.memory_space<vmem>>, vector<1x1x16xf32>,
        %get3A_363 = vector.shape_cast %get3A_362 : vector<1x1x16xf32> to vector<16xf32>
        %select_n3A_364 = arith.select %eq3A_333, %get3A_363, %broadcast_in_dim3A_3 : vector<16xi1>, vector<16xf32>
        %add3A_365 = arith.addf %add3A_322, %select_n3A_364 : vector<16xf32>
        %select_n3A_366 = arith.select %eq3A_333, %broadcast_in_dim3A_5, %broadcast_in_dim3A_3 : vector<16xi1>, vector<16xf32>
        %add3A_367 = arith.addf %add3A_324, %select_n3A_366 : vector<16xf32>
        %add3A_368 = arith.constant 48 : i32
        %add3A_369 = arith.addi %mul3A_241, %add3A_368 : i32
        %get3A_370 = arith.index_cast %scan3A_222 : i32 to index
        %get3A_371 = arith.index_cast %add3A_369 : i32 to index
        %get3A_372 = tpu.vector_load %arg5[%get3A_370, %get3A_371] {strides = array<i32>} : memref<16x512xi32, #tpu.memory_space<vmem>>, vector<1x16xi32>,
        %get3A_373 = vector.shape_cast %get3A_372 : vector<1x16xi32> to vector<16xi32>
        %eq3A_374 = arith.constant 1 : i32
        %eq3A_375 = vector.broadcast %eq3A_374 : i32 to vector<16xi32>
        %eq3A_376 = arith.cmpi eq, %get3A_373, %eq3A_375 : vector<16xi32>
        %get3A_377 = arith.constant 0 : i32
        %get3A_378 = arith.index_cast %get3A_377 : i32 to index
        %get3A_379 = arith.index_cast %scan3A_222 : i32 to index
        %get3A_380 = arith.index_cast %add3A_369 : i32 to index
        %get3A_381 = tpu.vector_load %arg6[%get3A_378, %get3A_379, %get3A_380] {strides = array<i32>} : memref<4x16x512xf32, #tpu.memory_space<vmem>>, vector<1x1x16xf32>,
        %get3A_382 = vector.shape_cast %get3A_381 : vector<1x1x16xf32> to vector<16xf32>
        %select_n3A_383 = arith.select %eq3A_376, %get3A_382, %broadcast_in_dim3A_3 : vector<16xi1>, vector<16xf32>
        %add3A_384 = arith.addf %add3A_341, %select_n3A_383 : vector<16xf32>
        %get3A_385 = arith.constant 1 : i32
        %get3A_386 = arith.index_cast %get3A_385 : i32 to index
        %get3A_387 = arith.index_cast %scan3A_222 : i32 to index
        %get3A_388 = arith.index_cast %add3A_369 : i32 to index
        %get3A_389 = tpu.vector_load %arg6[%get3A_386, %get3A_387, %get3A_388] {strides = array<i32>} : memref<4x16x512xf32, #tpu.memory_space<vmem>>, vector<1x1x16xf32>,
        %get3A_390 = vector.shape_cast %get3A_389 : vector<1x1x16xf32> to vector<16xf32>
        %select_n3A_391 = arith.select %eq3A_376, %get3A_390, %broadcast_in_dim3A_3 : vector<16xi1>, vector<16xf32>
        %add3A_392 = arith.addf %add3A_349, %select_n3A_391 : vector<16xf32>
        %get3A_393 = arith.constant 2 : i32
        %get3A_394 = arith.index_cast %get3A_393 : i32 to index
        %get3A_395 = arith.index_cast %scan3A_222 : i32 to index
        %get3A_396 = arith.index_cast %add3A_369 : i32 to index
        %get3A_397 = tpu.vector_load %arg6[%get3A_394, %get3A_395, %get3A_396] {strides = array<i32>} : memref<4x16x512xf32, #tpu.memory_space<vmem>>, vector<1x1x16xf32>,
        %get3A_398 = vector.shape_cast %get3A_397 : vector<1x1x16xf32> to vector<16xf32>
        %select_n3A_399 = arith.select %eq3A_376, %get3A_398, %broadcast_in_dim3A_3 : vector<16xi1>, vector<16xf32>
        %add3A_400 = arith.addf %add3A_357, %select_n3A_399 : vector<16xf32>
        %get3A_401 = arith.constant 3 : i32
        %get3A_402 = arith.index_cast %get3A_401 : i32 to index
        %get3A_403 = arith.index_cast %scan3A_222 : i32 to index
        %get3A_404 = arith.index_cast %add3A_369 : i32 to index
        %get3A_405 = tpu.vector_load %arg6[%get3A_402, %get3A_403, %get3A_404] {strides = array<i32>} : memref<4x16x512xf32, #tpu.memory_space<vmem>>, vector<1x1x16xf32>,
        %get3A_406 = vector.shape_cast %get3A_405 : vector<1x1x16xf32> to vector<16xf32>
        %select_n3A_407 = arith.select %eq3A_376, %get3A_406, %broadcast_in_dim3A_3 : vector<16xi1>, vector<16xf32>
        %add3A_408 = arith.addf %add3A_365, %select_n3A_407 : vector<16xf32>
        %select_n3A_409 = arith.select %eq3A_376, %broadcast_in_dim3A_5, %broadcast_in_dim3A_3 : vector<16xi1>, vector<16xf32>
        %add3A_410 = arith.addf %add3A_367, %select_n3A_409 : vector<16xf32>
        scf.yield %add3A_384, %add3A_392, %add3A_400, %add3A_408, %add3A_410 : vector<16xf32>, vector<16xf32>, vector<16xf32>, vector<16xf32>, vector<16xf32>
      }
      %scan3A_233 = arith.constant 8 : i32
      scf.yield %scan3A_232#0, %scan3A_232#1, %scan3A_232#2, %scan3A_232#3, %scan3A_232#4 : vector<16xf32>, vector<16xf32>, vector<16xf32>, vector<16xf32>, vector<16xf32>
    }
    %scan3A_56 = arith.constant 16 : i32
    %dma_start3A_57 = arith.constant 13 : i32
    %dma_start3A_58 = arith.constant 0 : i32
    %dma_start3A_59 = tpu.memref_slice %arg3[%dma_start3A_57, %mul3A_2, %dma_start3A_58] : memref<16x512x512xi32, #tpu.memory_space<hbm>> -> memref<1x16x512xi32, #tpu.memory_space<hbm>>
    %dma_start3A_60 = tpu.memref_squeeze %dma_start3A_59 : memref<1x16x512xi32, #tpu.memory_space<hbm>> -> memref<16x512xi32, #tpu.memory_space<hbm>>
    %dma_start3A_61 = arith.constant 0 : i32
    %dma_start3A_62 = tpu.memref_slice %arg3[%dma_start3A_57, %mul3A_2, %dma_start3A_61] : memref<16x512x512xi32, #tpu.memory_space<hbm>> -> memref<1x16x512xi32, #tpu.memory_space<hbm>>
    %dma_start3A_63 = tpu.memref_squeeze %dma_start3A_62 : memref<1x16x512xi32, #tpu.memory_space<hbm>> -> memref<16x512xi32, #tpu.memory_space<hbm>>
    tpu.enqueue_dma source(%dma_start3A_63 : memref<16x512xi32, #tpu.memory_space<hbm>>) target(%arg5 : memref<16x512xi32, #tpu.memory_space<vmem>>) target_semaphore(%arg10 : memref<!tpu.dma_semaphore, #tpu.memory_space<semaphore_mem>>)
    %dma_start3A_64 = arith.constant 13 : i32
    %dma_start3A_65 = arith.constant 1 : i32
    %dma_start3A_66 = arith.constant 0 : i32
    %dma_start3A_67 = tpu.memref_slice %arg2[%dma_start3A_64, %dma_start3A_65, %mul3A_2, %dma_start3A_66] : memref<16x5x512x512xf32, #tpu.memory_space<hbm>> -> memref<1x4x16x512xf32, #tpu.memory_space<hbm>>
    %dma_start3A_68 = tpu.memref_squeeze %dma_start3A_67 : memref<1x4x16x512xf32, #tpu.memory_space<hbm>> -> memref<4x16x512xf32, #tpu.memory_space<hbm>>
    %dma_start3A_69 = arith.constant 1 : i32
    %dma_start3A_70 = arith.constant 0 : i32
    %dma_start3A_71 = tpu.memref_slice %arg2[%dma_start3A_64, %dma_start3A_69, %mul3A_2, %dma_start3A_70] : memref<16x5x512x512xf32, #tpu.memory_space<hbm>> -> memref<1x4x16x512xf32, #tpu.memory_space<hbm>>
    %dma_start3A_72 = tpu.memref_squeeze %dma_start3A_71 : memref<1x4x16x512xf32, #tpu.memory_space<hbm>> -> memref<4x16x512xf32, #tpu.memory_space<hbm>>
    tpu.enqueue_dma source(%dma_start3A_72 : memref<4x16x512xf32, #tpu.memory_space<hbm>>) target(%arg6 : memref<4x16x512xf32, #tpu.memory_space<vmem>>) target_semaphore(%arg10 : memref<!tpu.dma_semaphore, #tpu.memory_space<semaphore_mem>>)
    %dma_wait3A_73 = arith.constant 12 : i32
    %dma_wait3A_74 = arith.constant 0 : i32
    %dma_wait3A_75 = tpu.memref_slice %arg3[%dma_wait3A_73, %mul3A_2, %dma_wait3A_74] : memref<16x512x512xi32, #tpu.memory_space<hbm>> -> memref<1x16x512xi32, #tpu.memory_space<hbm>>
    %dma_wait3A_76 = tpu.memref_squeeze %dma_wait3A_75 : memref<1x16x512xi32, #tpu.memory_space<hbm>> -> memref<16x512xi32, #tpu.memory_space<hbm>>
    %dma_wait3A_77 = arith.constant 0 : i32
    %dma_wait3A_78 = tpu.memref_slice %arg3[%dma_wait3A_73, %mul3A_2, %dma_wait3A_77] : memref<16x512x512xi32, #tpu.memory_space<hbm>> -> memref<1x16x512xi32, #tpu.memory_space<hbm>>
    %dma_wait3A_79 = tpu.memref_squeeze %dma_wait3A_78 : memref<1x16x512xi32, #tpu.memory_space<hbm>> -> memref<16x512xi32, #tpu.memory_space<hbm>>
    tpu.wait_dma2 semaphore(%arg11 : memref<!tpu.dma_semaphore, #tpu.memory_space<semaphore_mem>>) src(%dma_wait3A_79 : memref<16x512xi32, #tpu.memory_space<hbm>>) dst(%arg7 : memref<16x512xi32, #tpu.memory_space<vmem>>)
    %dma_wait3A_80 = arith.constant 12 : i32
    %dma_wait3A_81 = arith.constant 1 : i32
    %dma_wait3A_82 = arith.constant 0 : i32
    %dma_wait3A_83 = tpu.memref_slice %arg2[%dma_wait3A_80, %dma_wait3A_81, %mul3A_2, %dma_wait3A_82] : memref<16x5x512x512xf32, #tpu.memory_space<hbm>> -> memref<1x4x16x512xf32, #tpu.memory_space<hbm>>
    %dma_wait3A_84 = tpu.memref_squeeze %dma_wait3A_83 : memref<1x4x16x512xf32, #tpu.memory_space<hbm>> -> memref<4x16x512xf32, #tpu.memory_space<hbm>>
    %dma_wait3A_85 = arith.constant 1 : i32
    %dma_wait3A_86 = arith.constant 0 : i32
    %dma_wait3A_87 = tpu.memref_slice %arg2[%dma_wait3A_80, %dma_wait3A_85, %mul3A_2, %dma_wait3A_86] : memref<16x5x512x512xf32, #tpu.memory_space<hbm>> -> memref<1x4x16x512xf32, #tpu.memory_space<hbm>>
    %dma_wait3A_88 = tpu.memref_squeeze %dma_wait3A_87 : memref<1x4x16x512xf32, #tpu.memory_space<hbm>> -> memref<4x16x512xf32, #tpu.memory_space<hbm>>
    tpu.wait_dma2 semaphore(%arg11 : memref<!tpu.dma_semaphore, #tpu.memory_space<semaphore_mem>>) src(%dma_wait3A_88 : memref<4x16x512xf32, #tpu.memory_space<hbm>>) dst(%arg8 : memref<4x16x512xf32, #tpu.memory_space<vmem>>)
    %scan3A_89 = arith.constant 0 : i32
    %scan3A_90 = arith.constant 16 : i32
    %scan3A_91 = arith.addi %scan3A_89, %scan3A_90 : i32
    %scan3A_92 = arith.constant 1 : i32
    %scan3A_93:5 = scf.for %scan3A_222 = %scan3A_89 to %scan3A_91 step %scan3A_92 iter_args(%scan3A_223 = %scan3A_55#0, %scan3A_224 = %scan3A_55#1, %scan3A_225 = %scan3A_55#2, %scan3A_226 = %scan3A_55#3, %scan3A_227 = %scan3A_55#4) -> (vector<16xf32>, vector<16xf32>, vector<16xf32>, vector<16xf32>, vector<16xf32>)  : i32 {
      %scan3A_228 = arith.constant 0 : i32
      %scan3A_229 = arith.constant 8 : i32
      %scan3A_230 = arith.addi %scan3A_228, %scan3A_229 : i32
      %scan3A_231 = arith.constant 1 : i32
      %scan3A_232:5 = scf.for %scan3A_234 = %scan3A_228 to %scan3A_230 step %scan3A_231 iter_args(%scan3A_235 = %scan3A_223, %scan3A_236 = %scan3A_224, %scan3A_237 = %scan3A_225, %scan3A_238 = %scan3A_226, %scan3A_239 = %scan3A_227) -> (vector<16xf32>, vector<16xf32>, vector<16xf32>, vector<16xf32>, vector<16xf32>)  : i32 {
        %mul3A_240 = arith.constant 64 : i32
        %mul3A_241 = arith.muli %scan3A_234, %mul3A_240 : i32
        %add3A_242 = arith.constant 0 : i32
        %add3A_243 = arith.addi %mul3A_241, %add3A_242 : i32
        %get3A = arith.index_cast %scan3A_222 : i32 to index
        %get3A_244 = arith.index_cast %add3A_243 : i32 to index
        %get3A_245 = tpu.vector_load %arg7[%get3A, %get3A_244] {strides = array<i32>} : memref<16x512xi32, #tpu.memory_space<vmem>>, vector<1x16xi32>,
        %get3A_246 = vector.shape_cast %get3A_245 : vector<1x16xi32> to vector<16xi32>
        %eq3A = arith.constant 1 : i32
        %eq3A_247 = vector.broadcast %eq3A : i32 to vector<16xi32>
        %eq3A_248 = arith.cmpi eq, %get3A_246, %eq3A_247 : vector<16xi32>
        %get3A_249 = arith.constant 0 : i32
        %get3A_250 = arith.index_cast %get3A_249 : i32 to index
        %get3A_251 = arith.index_cast %scan3A_222 : i32 to index
        %get3A_252 = arith.index_cast %add3A_243 : i32 to index
        %get3A_253 = tpu.vector_load %arg8[%get3A_250, %get3A_251, %get3A_252] {strides = array<i32>} : memref<4x16x512xf32, #tpu.memory_space<vmem>>, vector<1x1x16xf32>,
        %get3A_254 = vector.shape_cast %get3A_253 : vector<1x1x16xf32> to vector<16xf32>
        %select_n3A = arith.select %eq3A_248, %get3A_254, %broadcast_in_dim3A_3 : vector<16xi1>, vector<16xf32>
        %add3A_255 = arith.addf %scan3A_235, %select_n3A : vector<16xf32>
        %get3A_256 = arith.constant 1 : i32
        %get3A_257 = arith.index_cast %get3A_256 : i32 to index
        %get3A_258 = arith.index_cast %scan3A_222 : i32 to index
        %get3A_259 = arith.index_cast %add3A_243 : i32 to index
        %get3A_260 = tpu.vector_load %arg8[%get3A_257, %get3A_258, %get3A_259] {strides = array<i32>} : memref<4x16x512xf32, #tpu.memory_space<vmem>>, vector<1x1x16xf32>,
        %get3A_261 = vector.shape_cast %get3A_260 : vector<1x1x16xf32> to vector<16xf32>
        %select_n3A_262 = arith.select %eq3A_248, %get3A_261, %broadcast_in_dim3A_3 : vector<16xi1>, vector<16xf32>
        %add3A_263 = arith.addf %scan3A_236, %select_n3A_262 : vector<16xf32>
        %get3A_264 = arith.constant 2 : i32
        %get3A_265 = arith.index_cast %get3A_264 : i32 to index
        %get3A_266 = arith.index_cast %scan3A_222 : i32 to index
        %get3A_267 = arith.index_cast %add3A_243 : i32 to index
        %get3A_268 = tpu.vector_load %arg8[%get3A_265, %get3A_266, %get3A_267] {strides = array<i32>} : memref<4x16x512xf32, #tpu.memory_space<vmem>>, vector<1x1x16xf32>,
        %get3A_269 = vector.shape_cast %get3A_268 : vector<1x1x16xf32> to vector<16xf32>
        %select_n3A_270 = arith.select %eq3A_248, %get3A_269, %broadcast_in_dim3A_3 : vector<16xi1>, vector<16xf32>
        %add3A_271 = arith.addf %scan3A_237, %select_n3A_270 : vector<16xf32>
        %get3A_272 = arith.constant 3 : i32
        %get3A_273 = arith.index_cast %get3A_272 : i32 to index
        %get3A_274 = arith.index_cast %scan3A_222 : i32 to index
        %get3A_275 = arith.index_cast %add3A_243 : i32 to index
        %get3A_276 = tpu.vector_load %arg8[%get3A_273, %get3A_274, %get3A_275] {strides = array<i32>} : memref<4x16x512xf32, #tpu.memory_space<vmem>>, vector<1x1x16xf32>,
        %get3A_277 = vector.shape_cast %get3A_276 : vector<1x1x16xf32> to vector<16xf32>
        %select_n3A_278 = arith.select %eq3A_248, %get3A_277, %broadcast_in_dim3A_3 : vector<16xi1>, vector<16xf32>
        %add3A_279 = arith.addf %scan3A_238, %select_n3A_278 : vector<16xf32>
        %select_n3A_280 = arith.select %eq3A_248, %broadcast_in_dim3A_5, %broadcast_in_dim3A_3 : vector<16xi1>, vector<16xf32>
        %add3A_281 = arith.addf %scan3A_239, %select_n3A_280 : vector<16xf32>
        %add3A_282 = arith.constant 16 : i32
        %add3A_283 = arith.addi %mul3A_241, %add3A_282 : i32
        %get3A_284 = arith.index_cast %scan3A_222 : i32 to index
        %get3A_285 = arith.index_cast %add3A_283 : i32 to index
        %get3A_286 = tpu.vector_load %arg7[%get3A_284, %get3A_285] {strides = array<i32>} : memref<16x512xi32, #tpu.memory_space<vmem>>, vector<1x16xi32>,
        %get3A_287 = vector.shape_cast %get3A_286 : vector<1x16xi32> to vector<16xi32>
        %eq3A_288 = arith.constant 1 : i32
        %eq3A_289 = vector.broadcast %eq3A_288 : i32 to vector<16xi32>
        %eq3A_290 = arith.cmpi eq, %get3A_287, %eq3A_289 : vector<16xi32>
        %get3A_291 = arith.constant 0 : i32
        %get3A_292 = arith.index_cast %get3A_291 : i32 to index
        %get3A_293 = arith.index_cast %scan3A_222 : i32 to index
        %get3A_294 = arith.index_cast %add3A_283 : i32 to index
        %get3A_295 = tpu.vector_load %arg8[%get3A_292, %get3A_293, %get3A_294] {strides = array<i32>} : memref<4x16x512xf32, #tpu.memory_space<vmem>>, vector<1x1x16xf32>,
        %get3A_296 = vector.shape_cast %get3A_295 : vector<1x1x16xf32> to vector<16xf32>
        %select_n3A_297 = arith.select %eq3A_290, %get3A_296, %broadcast_in_dim3A_3 : vector<16xi1>, vector<16xf32>
        %add3A_298 = arith.addf %add3A_255, %select_n3A_297 : vector<16xf32>
        %get3A_299 = arith.constant 1 : i32
        %get3A_300 = arith.index_cast %get3A_299 : i32 to index
        %get3A_301 = arith.index_cast %scan3A_222 : i32 to index
        %get3A_302 = arith.index_cast %add3A_283 : i32 to index
        %get3A_303 = tpu.vector_load %arg8[%get3A_300, %get3A_301, %get3A_302] {strides = array<i32>} : memref<4x16x512xf32, #tpu.memory_space<vmem>>, vector<1x1x16xf32>,
        %get3A_304 = vector.shape_cast %get3A_303 : vector<1x1x16xf32> to vector<16xf32>
        %select_n3A_305 = arith.select %eq3A_290, %get3A_304, %broadcast_in_dim3A_3 : vector<16xi1>, vector<16xf32>
        %add3A_306 = arith.addf %add3A_263, %select_n3A_305 : vector<16xf32>
        %get3A_307 = arith.constant 2 : i32
        %get3A_308 = arith.index_cast %get3A_307 : i32 to index
        %get3A_309 = arith.index_cast %scan3A_222 : i32 to index
        %get3A_310 = arith.index_cast %add3A_283 : i32 to index
        %get3A_311 = tpu.vector_load %arg8[%get3A_308, %get3A_309, %get3A_310] {strides = array<i32>} : memref<4x16x512xf32, #tpu.memory_space<vmem>>, vector<1x1x16xf32>,
        %get3A_312 = vector.shape_cast %get3A_311 : vector<1x1x16xf32> to vector<16xf32>
        %select_n3A_313 = arith.select %eq3A_290, %get3A_312, %broadcast_in_dim3A_3 : vector<16xi1>, vector<16xf32>
        %add3A_314 = arith.addf %add3A_271, %select_n3A_313 : vector<16xf32>
        %get3A_315 = arith.constant 3 : i32
        %get3A_316 = arith.index_cast %get3A_315 : i32 to index
        %get3A_317 = arith.index_cast %scan3A_222 : i32 to index
        %get3A_318 = arith.index_cast %add3A_283 : i32 to index
        %get3A_319 = tpu.vector_load %arg8[%get3A_316, %get3A_317, %get3A_318] {strides = array<i32>} : memref<4x16x512xf32, #tpu.memory_space<vmem>>, vector<1x1x16xf32>,
        %get3A_320 = vector.shape_cast %get3A_319 : vector<1x1x16xf32> to vector<16xf32>
        %select_n3A_321 = arith.select %eq3A_290, %get3A_320, %broadcast_in_dim3A_3 : vector<16xi1>, vector<16xf32>
        %add3A_322 = arith.addf %add3A_279, %select_n3A_321 : vector<16xf32>
        %select_n3A_323 = arith.select %eq3A_290, %broadcast_in_dim3A_5, %broadcast_in_dim3A_3 : vector<16xi1>, vector<16xf32>
        %add3A_324 = arith.addf %add3A_281, %select_n3A_323 : vector<16xf32>
        %add3A_325 = arith.constant 32 : i32
        %add3A_326 = arith.addi %mul3A_241, %add3A_325 : i32
        %get3A_327 = arith.index_cast %scan3A_222 : i32 to index
        %get3A_328 = arith.index_cast %add3A_326 : i32 to index
        %get3A_329 = tpu.vector_load %arg7[%get3A_327, %get3A_328] {strides = array<i32>} : memref<16x512xi32, #tpu.memory_space<vmem>>, vector<1x16xi32>,
        %get3A_330 = vector.shape_cast %get3A_329 : vector<1x16xi32> to vector<16xi32>
        %eq3A_331 = arith.constant 1 : i32
        %eq3A_332 = vector.broadcast %eq3A_331 : i32 to vector<16xi32>
        %eq3A_333 = arith.cmpi eq, %get3A_330, %eq3A_332 : vector<16xi32>
        %get3A_334 = arith.constant 0 : i32
        %get3A_335 = arith.index_cast %get3A_334 : i32 to index
        %get3A_336 = arith.index_cast %scan3A_222 : i32 to index
        %get3A_337 = arith.index_cast %add3A_326 : i32 to index
        %get3A_338 = tpu.vector_load %arg8[%get3A_335, %get3A_336, %get3A_337] {strides = array<i32>} : memref<4x16x512xf32, #tpu.memory_space<vmem>>, vector<1x1x16xf32>,
        %get3A_339 = vector.shape_cast %get3A_338 : vector<1x1x16xf32> to vector<16xf32>
        %select_n3A_340 = arith.select %eq3A_333, %get3A_339, %broadcast_in_dim3A_3 : vector<16xi1>, vector<16xf32>
        %add3A_341 = arith.addf %add3A_298, %select_n3A_340 : vector<16xf32>
        %get3A_342 = arith.constant 1 : i32
        %get3A_343 = arith.index_cast %get3A_342 : i32 to index
        %get3A_344 = arith.index_cast %scan3A_222 : i32 to index
        %get3A_345 = arith.index_cast %add3A_326 : i32 to index
        %get3A_346 = tpu.vector_load %arg8[%get3A_343, %get3A_344, %get3A_345] {strides = array<i32>} : memref<4x16x512xf32, #tpu.memory_space<vmem>>, vector<1x1x16xf32>,
        %get3A_347 = vector.shape_cast %get3A_346 : vector<1x1x16xf32> to vector<16xf32>
        %select_n3A_348 = arith.select %eq3A_333, %get3A_347, %broadcast_in_dim3A_3 : vector<16xi1>, vector<16xf32>
        %add3A_349 = arith.addf %add3A_306, %select_n3A_348 : vector<16xf32>
        %get3A_350 = arith.constant 2 : i32
        %get3A_351 = arith.index_cast %get3A_350 : i32 to index
        %get3A_352 = arith.index_cast %scan3A_222 : i32 to index
        %get3A_353 = arith.index_cast %add3A_326 : i32 to index
        %get3A_354 = tpu.vector_load %arg8[%get3A_351, %get3A_352, %get3A_353] {strides = array<i32>} : memref<4x16x512xf32, #tpu.memory_space<vmem>>, vector<1x1x16xf32>,
        %get3A_355 = vector.shape_cast %get3A_354 : vector<1x1x16xf32> to vector<16xf32>
        %select_n3A_356 = arith.select %eq3A_333, %get3A_355, %broadcast_in_dim3A_3 : vector<16xi1>, vector<16xf32>
        %add3A_357 = arith.addf %add3A_314, %select_n3A_356 : vector<16xf32>
        %get3A_358 = arith.constant 3 : i32
        %get3A_359 = arith.index_cast %get3A_358 : i32 to index
        %get3A_360 = arith.index_cast %scan3A_222 : i32 to index
        %get3A_361 = arith.index_cast %add3A_326 : i32 to index
        %get3A_362 = tpu.vector_load %arg8[%get3A_359, %get3A_360, %get3A_361] {strides = array<i32>} : memref<4x16x512xf32, #tpu.memory_space<vmem>>, vector<1x1x16xf32>,
        %get3A_363 = vector.shape_cast %get3A_362 : vector<1x1x16xf32> to vector<16xf32>
        %select_n3A_364 = arith.select %eq3A_333, %get3A_363, %broadcast_in_dim3A_3 : vector<16xi1>, vector<16xf32>
        %add3A_365 = arith.addf %add3A_322, %select_n3A_364 : vector<16xf32>
        %select_n3A_366 = arith.select %eq3A_333, %broadcast_in_dim3A_5, %broadcast_in_dim3A_3 : vector<16xi1>, vector<16xf32>
        %add3A_367 = arith.addf %add3A_324, %select_n3A_366 : vector<16xf32>
        %add3A_368 = arith.constant 48 : i32
        %add3A_369 = arith.addi %mul3A_241, %add3A_368 : i32
        %get3A_370 = arith.index_cast %scan3A_222 : i32 to index
        %get3A_371 = arith.index_cast %add3A_369 : i32 to index
        %get3A_372 = tpu.vector_load %arg7[%get3A_370, %get3A_371] {strides = array<i32>} : memref<16x512xi32, #tpu.memory_space<vmem>>, vector<1x16xi32>,
        %get3A_373 = vector.shape_cast %get3A_372 : vector<1x16xi32> to vector<16xi32>
        %eq3A_374 = arith.constant 1 : i32
        %eq3A_375 = vector.broadcast %eq3A_374 : i32 to vector<16xi32>
        %eq3A_376 = arith.cmpi eq, %get3A_373, %eq3A_375 : vector<16xi32>
        %get3A_377 = arith.constant 0 : i32
        %get3A_378 = arith.index_cast %get3A_377 : i32 to index
        %get3A_379 = arith.index_cast %scan3A_222 : i32 to index
        %get3A_380 = arith.index_cast %add3A_369 : i32 to index
        %get3A_381 = tpu.vector_load %arg8[%get3A_378, %get3A_379, %get3A_380] {strides = array<i32>} : memref<4x16x512xf32, #tpu.memory_space<vmem>>, vector<1x1x16xf32>,
        %get3A_382 = vector.shape_cast %get3A_381 : vector<1x1x16xf32> to vector<16xf32>
        %select_n3A_383 = arith.select %eq3A_376, %get3A_382, %broadcast_in_dim3A_3 : vector<16xi1>, vector<16xf32>
        %add3A_384 = arith.addf %add3A_341, %select_n3A_383 : vector<16xf32>
        %get3A_385 = arith.constant 1 : i32
        %get3A_386 = arith.index_cast %get3A_385 : i32 to index
        %get3A_387 = arith.index_cast %scan3A_222 : i32 to index
        %get3A_388 = arith.index_cast %add3A_369 : i32 to index
        %get3A_389 = tpu.vector_load %arg8[%get3A_386, %get3A_387, %get3A_388] {strides = array<i32>} : memref<4x16x512xf32, #tpu.memory_space<vmem>>, vector<1x1x16xf32>,
        %get3A_390 = vector.shape_cast %get3A_389 : vector<1x1x16xf32> to vector<16xf32>
        %select_n3A_391 = arith.select %eq3A_376, %get3A_390, %broadcast_in_dim3A_3 : vector<16xi1>, vector<16xf32>
        %add3A_392 = arith.addf %add3A_349, %select_n3A_391 : vector<16xf32>
        %get3A_393 = arith.constant 2 : i32
        %get3A_394 = arith.index_cast %get3A_393 : i32 to index
        %get3A_395 = arith.index_cast %scan3A_222 : i32 to index
        %get3A_396 = arith.index_cast %add3A_369 : i32 to index
        %get3A_397 = tpu.vector_load %arg8[%get3A_394, %get3A_395, %get3A_396] {strides = array<i32>} : memref<4x16x512xf32, #tpu.memory_space<vmem>>, vector<1x1x16xf32>,
        %get3A_398 = vector.shape_cast %get3A_397 : vector<1x1x16xf32> to vector<16xf32>
        %select_n3A_399 = arith.select %eq3A_376, %get3A_398, %broadcast_in_dim3A_3 : vector<16xi1>, vector<16xf32>
        %add3A_400 = arith.addf %add3A_357, %select_n3A_399 : vector<16xf32>
        %get3A_401 = arith.constant 3 : i32
        %get3A_402 = arith.index_cast %get3A_401 : i32 to index
        %get3A_403 = arith.index_cast %scan3A_222 : i32 to index
        %get3A_404 = arith.index_cast %add3A_369 : i32 to index
        %get3A_405 = tpu.vector_load %arg8[%get3A_402, %get3A_403, %get3A_404] {strides = array<i32>} : memref<4x16x512xf32, #tpu.memory_space<vmem>>, vector<1x1x16xf32>,
        %get3A_406 = vector.shape_cast %get3A_405 : vector<1x1x16xf32> to vector<16xf32>
        %select_n3A_407 = arith.select %eq3A_376, %get3A_406, %broadcast_in_dim3A_3 : vector<16xi1>, vector<16xf32>
        %add3A_408 = arith.addf %add3A_365, %select_n3A_407 : vector<16xf32>
        %select_n3A_409 = arith.select %eq3A_376, %broadcast_in_dim3A_5, %broadcast_in_dim3A_3 : vector<16xi1>, vector<16xf32>
        %add3A_410 = arith.addf %add3A_367, %select_n3A_409 : vector<16xf32>
        scf.yield %add3A_384, %add3A_392, %add3A_400, %add3A_408, %add3A_410 : vector<16xf32>, vector<16xf32>, vector<16xf32>, vector<16xf32>, vector<16xf32>
      }
      %scan3A_233 = arith.constant 8 : i32
      scf.yield %scan3A_232#0, %scan3A_232#1, %scan3A_232#2, %scan3A_232#3, %scan3A_232#4 : vector<16xf32>, vector<16xf32>, vector<16xf32>, vector<16xf32>, vector<16xf32>
    }
    %scan3A_94 = arith.constant 16 : i32
    %dma_start3A_95 = arith.constant 14 : i32
    %dma_start3A_96 = arith.constant 0 : i32
    %dma_start3A_97 = tpu.memref_slice %arg3[%dma_start3A_95, %mul3A_2, %dma_start3A_96] : memref<16x512x512xi32, #tpu.memory_space<hbm>> -> memref<1x16x512xi32, #tpu.memory_space<hbm>>
    %dma_start3A_98 = tpu.memref_squeeze %dma_start3A_97 : memref<1x16x512xi32, #tpu.memory_space<hbm>> -> memref<16x512xi32, #tpu.memory_space<hbm>>
    %dma_start3A_99 = arith.constant 0 : i32
    %dma_start3A_100 = tpu.memref_slice %arg3[%dma_start3A_95, %mul3A_2, %dma_start3A_99] : memref<16x512x512xi32, #tpu.memory_space<hbm>> -> memref<1x16x512xi32, #tpu.memory_space<hbm>>
    %dma_start3A_101 = tpu.memref_squeeze %dma_start3A_100 : memref<1x16x512xi32, #tpu.memory_space<hbm>> -> memref<16x512xi32, #tpu.memory_space<hbm>>
    tpu.enqueue_dma source(%dma_start3A_101 : memref<16x512xi32, #tpu.memory_space<hbm>>) target(%arg7 : memref<16x512xi32, #tpu.memory_space<vmem>>) target_semaphore(%arg11 : memref<!tpu.dma_semaphore, #tpu.memory_space<semaphore_mem>>)
    %dma_start3A_102 = arith.constant 14 : i32
    %dma_start3A_103 = arith.constant 1 : i32
    %dma_start3A_104 = arith.constant 0 : i32
    %dma_start3A_105 = tpu.memref_slice %arg2[%dma_start3A_102, %dma_start3A_103, %mul3A_2, %dma_start3A_104] : memref<16x5x512x512xf32, #tpu.memory_space<hbm>> -> memref<1x4x16x512xf32, #tpu.memory_space<hbm>>
    %dma_start3A_106 = tpu.memref_squeeze %dma_start3A_105 : memref<1x4x16x512xf32, #tpu.memory_space<hbm>> -> memref<4x16x512xf32, #tpu.memory_space<hbm>>
    %dma_start3A_107 = arith.constant 1 : i32
    %dma_start3A_108 = arith.constant 0 : i32
    %dma_start3A_109 = tpu.memref_slice %arg2[%dma_start3A_102, %dma_start3A_107, %mul3A_2, %dma_start3A_108] : memref<16x5x512x512xf32, #tpu.memory_space<hbm>> -> memref<1x4x16x512xf32, #tpu.memory_space<hbm>>
    %dma_start3A_110 = tpu.memref_squeeze %dma_start3A_109 : memref<1x4x16x512xf32, #tpu.memory_space<hbm>> -> memref<4x16x512xf32, #tpu.memory_space<hbm>>
    tpu.enqueue_dma source(%dma_start3A_110 : memref<4x16x512xf32, #tpu.memory_space<hbm>>) target(%arg8 : memref<4x16x512xf32, #tpu.memory_space<vmem>>) target_semaphore(%arg11 : memref<!tpu.dma_semaphore, #tpu.memory_space<semaphore_mem>>)
    %dma_wait3A_111 = arith.constant 13 : i32
    %dma_wait3A_112 = arith.constant 0 : i32
    %dma_wait3A_113 = tpu.memref_slice %arg3[%dma_wait3A_111, %mul3A_2, %dma_wait3A_112] : memref<16x512x512xi32, #tpu.memory_space<hbm>> -> memref<1x16x512xi32, #tpu.memory_space<hbm>>
    %dma_wait3A_114 = tpu.memref_squeeze %dma_wait3A_113 : memref<1x16x512xi32, #tpu.memory_space<hbm>> -> memref<16x512xi32, #tpu.memory_space<hbm>>
    %dma_wait3A_115 = arith.constant 0 : i32
    %dma_wait3A_116 = tpu.memref_slice %arg3[%dma_wait3A_111, %mul3A_2, %dma_wait3A_115] : memref<16x512x512xi32, #tpu.memory_space<hbm>> -> memref<1x16x512xi32, #tpu.memory_space<hbm>>
    %dma_wait3A_117 = tpu.memref_squeeze %dma_wait3A_116 : memref<1x16x512xi32, #tpu.memory_space<hbm>> -> memref<16x512xi32, #tpu.memory_space<hbm>>
    tpu.wait_dma2 semaphore(%arg10 : memref<!tpu.dma_semaphore, #tpu.memory_space<semaphore_mem>>) src(%dma_wait3A_117 : memref<16x512xi32, #tpu.memory_space<hbm>>) dst(%arg5 : memref<16x512xi32, #tpu.memory_space<vmem>>)
    %dma_wait3A_118 = arith.constant 13 : i32
    %dma_wait3A_119 = arith.constant 1 : i32
    %dma_wait3A_120 = arith.constant 0 : i32
    %dma_wait3A_121 = tpu.memref_slice %arg2[%dma_wait3A_118, %dma_wait3A_119, %mul3A_2, %dma_wait3A_120] : memref<16x5x512x512xf32, #tpu.memory_space<hbm>> -> memref<1x4x16x512xf32, #tpu.memory_space<hbm>>
    %dma_wait3A_122 = tpu.memref_squeeze %dma_wait3A_121 : memref<1x4x16x512xf32, #tpu.memory_space<hbm>> -> memref<4x16x512xf32, #tpu.memory_space<hbm>>
    %dma_wait3A_123 = arith.constant 1 : i32
    %dma_wait3A_124 = arith.constant 0 : i32
    %dma_wait3A_125 = tpu.memref_slice %arg2[%dma_wait3A_118, %dma_wait3A_123, %mul3A_2, %dma_wait3A_124] : memref<16x5x512x512xf32, #tpu.memory_space<hbm>> -> memref<1x4x16x512xf32, #tpu.memory_space<hbm>>
    %dma_wait3A_126 = tpu.memref_squeeze %dma_wait3A_125 : memref<1x4x16x512xf32, #tpu.memory_space<hbm>> -> memref<4x16x512xf32, #tpu.memory_space<hbm>>
    tpu.wait_dma2 semaphore(%arg10 : memref<!tpu.dma_semaphore, #tpu.memory_space<semaphore_mem>>) src(%dma_wait3A_126 : memref<4x16x512xf32, #tpu.memory_space<hbm>>) dst(%arg6 : memref<4x16x512xf32, #tpu.memory_space<vmem>>)
    %scan3A_127 = arith.constant 0 : i32
    %scan3A_128 = arith.constant 16 : i32
    %scan3A_129 = arith.addi %scan3A_127, %scan3A_128 : i32
    %scan3A_130 = arith.constant 1 : i32
    %scan3A_131:5 = scf.for %scan3A_222 = %scan3A_127 to %scan3A_129 step %scan3A_130 iter_args(%scan3A_223 = %scan3A_93#0, %scan3A_224 = %scan3A_93#1, %scan3A_225 = %scan3A_93#2, %scan3A_226 = %scan3A_93#3, %scan3A_227 = %scan3A_93#4) -> (vector<16xf32>, vector<16xf32>, vector<16xf32>, vector<16xf32>, vector<16xf32>)  : i32 {
      %scan3A_228 = arith.constant 0 : i32
      %scan3A_229 = arith.constant 8 : i32
      %scan3A_230 = arith.addi %scan3A_228, %scan3A_229 : i32
      %scan3A_231 = arith.constant 1 : i32
      %scan3A_232:5 = scf.for %scan3A_234 = %scan3A_228 to %scan3A_230 step %scan3A_231 iter_args(%scan3A_235 = %scan3A_223, %scan3A_236 = %scan3A_224, %scan3A_237 = %scan3A_225, %scan3A_238 = %scan3A_226, %scan3A_239 = %scan3A_227) -> (vector<16xf32>, vector<16xf32>, vector<16xf32>, vector<16xf32>, vector<16xf32>)  : i32 {
        %mul3A_240 = arith.constant 64 : i32
        %mul3A_241 = arith.muli %scan3A_234, %mul3A_240 : i32
        %add3A_242 = arith.constant 0 : i32
        %add3A_243 = arith.addi %mul3A_241, %add3A_242 : i32
        %get3A = arith.index_cast %scan3A_222 : i32 to index
        %get3A_244 = arith.index_cast %add3A_243 : i32 to index
        %get3A_245 = tpu.vector_load %arg5[%get3A, %get3A_244] {strides = array<i32>} : memref<16x512xi32, #tpu.memory_space<vmem>>, vector<1x16xi32>,
        %get3A_246 = vector.shape_cast %get3A_245 : vector<1x16xi32> to vector<16xi32>
        %eq3A = arith.constant 1 : i32
        %eq3A_247 = vector.broadcast %eq3A : i32 to vector<16xi32>
        %eq3A_248 = arith.cmpi eq, %get3A_246, %eq3A_247 : vector<16xi32>
        %get3A_249 = arith.constant 0 : i32
        %get3A_250 = arith.index_cast %get3A_249 : i32 to index
        %get3A_251 = arith.index_cast %scan3A_222 : i32 to index
        %get3A_252 = arith.index_cast %add3A_243 : i32 to index
        %get3A_253 = tpu.vector_load %arg6[%get3A_250, %get3A_251, %get3A_252] {strides = array<i32>} : memref<4x16x512xf32, #tpu.memory_space<vmem>>, vector<1x1x16xf32>,
        %get3A_254 = vector.shape_cast %get3A_253 : vector<1x1x16xf32> to vector<16xf32>
        %select_n3A = arith.select %eq3A_248, %get3A_254, %broadcast_in_dim3A_3 : vector<16xi1>, vector<16xf32>
        %add3A_255 = arith.addf %scan3A_235, %select_n3A : vector<16xf32>
        %get3A_256 = arith.constant 1 : i32
        %get3A_257 = arith.index_cast %get3A_256 : i32 to index
        %get3A_258 = arith.index_cast %scan3A_222 : i32 to index
        %get3A_259 = arith.index_cast %add3A_243 : i32 to index
        %get3A_260 = tpu.vector_load %arg6[%get3A_257, %get3A_258, %get3A_259] {strides = array<i32>} : memref<4x16x512xf32, #tpu.memory_space<vmem>>, vector<1x1x16xf32>,
        %get3A_261 = vector.shape_cast %get3A_260 : vector<1x1x16xf32> to vector<16xf32>
        %select_n3A_262 = arith.select %eq3A_248, %get3A_261, %broadcast_in_dim3A_3 : vector<16xi1>, vector<16xf32>
        %add3A_263 = arith.addf %scan3A_236, %select_n3A_262 : vector<16xf32>
        %get3A_264 = arith.constant 2 : i32
        %get3A_265 = arith.index_cast %get3A_264 : i32 to index
        %get3A_266 = arith.index_cast %scan3A_222 : i32 to index
        %get3A_267 = arith.index_cast %add3A_243 : i32 to index
        %get3A_268 = tpu.vector_load %arg6[%get3A_265, %get3A_266, %get3A_267] {strides = array<i32>} : memref<4x16x512xf32, #tpu.memory_space<vmem>>, vector<1x1x16xf32>,
        %get3A_269 = vector.shape_cast %get3A_268 : vector<1x1x16xf32> to vector<16xf32>
        %select_n3A_270 = arith.select %eq3A_248, %get3A_269, %broadcast_in_dim3A_3 : vector<16xi1>, vector<16xf32>
        %add3A_271 = arith.addf %scan3A_237, %select_n3A_270 : vector<16xf32>
        %get3A_272 = arith.constant 3 : i32
        %get3A_273 = arith.index_cast %get3A_272 : i32 to index
        %get3A_274 = arith.index_cast %scan3A_222 : i32 to index
        %get3A_275 = arith.index_cast %add3A_243 : i32 to index
        %get3A_276 = tpu.vector_load %arg6[%get3A_273, %get3A_274, %get3A_275] {strides = array<i32>} : memref<4x16x512xf32, #tpu.memory_space<vmem>>, vector<1x1x16xf32>,
        %get3A_277 = vector.shape_cast %get3A_276 : vector<1x1x16xf32> to vector<16xf32>
        %select_n3A_278 = arith.select %eq3A_248, %get3A_277, %broadcast_in_dim3A_3 : vector<16xi1>, vector<16xf32>
        %add3A_279 = arith.addf %scan3A_238, %select_n3A_278 : vector<16xf32>
        %select_n3A_280 = arith.select %eq3A_248, %broadcast_in_dim3A_5, %broadcast_in_dim3A_3 : vector<16xi1>, vector<16xf32>
        %add3A_281 = arith.addf %scan3A_239, %select_n3A_280 : vector<16xf32>
        %add3A_282 = arith.constant 16 : i32
        %add3A_283 = arith.addi %mul3A_241, %add3A_282 : i32
        %get3A_284 = arith.index_cast %scan3A_222 : i32 to index
        %get3A_285 = arith.index_cast %add3A_283 : i32 to index
        %get3A_286 = tpu.vector_load %arg5[%get3A_284, %get3A_285] {strides = array<i32>} : memref<16x512xi32, #tpu.memory_space<vmem>>, vector<1x16xi32>,
        %get3A_287 = vector.shape_cast %get3A_286 : vector<1x16xi32> to vector<16xi32>
        %eq3A_288 = arith.constant 1 : i32
        %eq3A_289 = vector.broadcast %eq3A_288 : i32 to vector<16xi32>
        %eq3A_290 = arith.cmpi eq, %get3A_287, %eq3A_289 : vector<16xi32>
        %get3A_291 = arith.constant 0 : i32
        %get3A_292 = arith.index_cast %get3A_291 : i32 to index
        %get3A_293 = arith.index_cast %scan3A_222 : i32 to index
        %get3A_294 = arith.index_cast %add3A_283 : i32 to index
        %get3A_295 = tpu.vector_load %arg6[%get3A_292, %get3A_293, %get3A_294] {strides = array<i32>} : memref<4x16x512xf32, #tpu.memory_space<vmem>>, vector<1x1x16xf32>,
        %get3A_296 = vector.shape_cast %get3A_295 : vector<1x1x16xf32> to vector<16xf32>
        %select_n3A_297 = arith.select %eq3A_290, %get3A_296, %broadcast_in_dim3A_3 : vector<16xi1>, vector<16xf32>
        %add3A_298 = arith.addf %add3A_255, %select_n3A_297 : vector<16xf32>
        %get3A_299 = arith.constant 1 : i32
        %get3A_300 = arith.index_cast %get3A_299 : i32 to index
        %get3A_301 = arith.index_cast %scan3A_222 : i32 to index
        %get3A_302 = arith.index_cast %add3A_283 : i32 to index
        %get3A_303 = tpu.vector_load %arg6[%get3A_300, %get3A_301, %get3A_302] {strides = array<i32>} : memref<4x16x512xf32, #tpu.memory_space<vmem>>, vector<1x1x16xf32>,
        %get3A_304 = vector.shape_cast %get3A_303 : vector<1x1x16xf32> to vector<16xf32>
        %select_n3A_305 = arith.select %eq3A_290, %get3A_304, %broadcast_in_dim3A_3 : vector<16xi1>, vector<16xf32>
        %add3A_306 = arith.addf %add3A_263, %select_n3A_305 : vector<16xf32>
        %get3A_307 = arith.constant 2 : i32
        %get3A_308 = arith.index_cast %get3A_307 : i32 to index
        %get3A_309 = arith.index_cast %scan3A_222 : i32 to index
        %get3A_310 = arith.index_cast %add3A_283 : i32 to index
        %get3A_311 = tpu.vector_load %arg6[%get3A_308, %get3A_309, %get3A_310] {strides = array<i32>} : memref<4x16x512xf32, #tpu.memory_space<vmem>>, vector<1x1x16xf32>,
        %get3A_312 = vector.shape_cast %get3A_311 : vector<1x1x16xf32> to vector<16xf32>
        %select_n3A_313 = arith.select %eq3A_290, %get3A_312, %broadcast_in_dim3A_3 : vector<16xi1>, vector<16xf32>
        %add3A_314 = arith.addf %add3A_271, %select_n3A_313 : vector<16xf32>
        %get3A_315 = arith.constant 3 : i32
        %get3A_316 = arith.index_cast %get3A_315 : i32 to index
        %get3A_317 = arith.index_cast %scan3A_222 : i32 to index
        %get3A_318 = arith.index_cast %add3A_283 : i32 to index
        %get3A_319 = tpu.vector_load %arg6[%get3A_316, %get3A_317, %get3A_318] {strides = array<i32>} : memref<4x16x512xf32, #tpu.memory_space<vmem>>, vector<1x1x16xf32>,
        %get3A_320 = vector.shape_cast %get3A_319 : vector<1x1x16xf32> to vector<16xf32>
        %select_n3A_321 = arith.select %eq3A_290, %get3A_320, %broadcast_in_dim3A_3 : vector<16xi1>, vector<16xf32>
        %add3A_322 = arith.addf %add3A_279, %select_n3A_321 : vector<16xf32>
        %select_n3A_323 = arith.select %eq3A_290, %broadcast_in_dim3A_5, %broadcast_in_dim3A_3 : vector<16xi1>, vector<16xf32>
        %add3A_324 = arith.addf %add3A_281, %select_n3A_323 : vector<16xf32>
        %add3A_325 = arith.constant 32 : i32
        %add3A_326 = arith.addi %mul3A_241, %add3A_325 : i32
        %get3A_327 = arith.index_cast %scan3A_222 : i32 to index
        %get3A_328 = arith.index_cast %add3A_326 : i32 to index
        %get3A_329 = tpu.vector_load %arg5[%get3A_327, %get3A_328] {strides = array<i32>} : memref<16x512xi32, #tpu.memory_space<vmem>>, vector<1x16xi32>,
        %get3A_330 = vector.shape_cast %get3A_329 : vector<1x16xi32> to vector<16xi32>
        %eq3A_331 = arith.constant 1 : i32
        %eq3A_332 = vector.broadcast %eq3A_331 : i32 to vector<16xi32>
        %eq3A_333 = arith.cmpi eq, %get3A_330, %eq3A_332 : vector<16xi32>
        %get3A_334 = arith.constant 0 : i32
        %get3A_335 = arith.index_cast %get3A_334 : i32 to index
        %get3A_336 = arith.index_cast %scan3A_222 : i32 to index
        %get3A_337 = arith.index_cast %add3A_326 : i32 to index
        %get3A_338 = tpu.vector_load %arg6[%get3A_335, %get3A_336, %get3A_337] {strides = array<i32>} : memref<4x16x512xf32, #tpu.memory_space<vmem>>, vector<1x1x16xf32>,
        %get3A_339 = vector.shape_cast %get3A_338 : vector<1x1x16xf32> to vector<16xf32>
        %select_n3A_340 = arith.select %eq3A_333, %get3A_339, %broadcast_in_dim3A_3 : vector<16xi1>, vector<16xf32>
        %add3A_341 = arith.addf %add3A_298, %select_n3A_340 : vector<16xf32>
        %get3A_342 = arith.constant 1 : i32
        %get3A_343 = arith.index_cast %get3A_342 : i32 to index
        %get3A_344 = arith.index_cast %scan3A_222 : i32 to index
        %get3A_345 = arith.index_cast %add3A_326 : i32 to index
        %get3A_346 = tpu.vector_load %arg6[%get3A_343, %get3A_344, %get3A_345] {strides = array<i32>} : memref<4x16x512xf32, #tpu.memory_space<vmem>>, vector<1x1x16xf32>,
        %get3A_347 = vector.shape_cast %get3A_346 : vector<1x1x16xf32> to vector<16xf32>
        %select_n3A_348 = arith.select %eq3A_333, %get3A_347, %broadcast_in_dim3A_3 : vector<16xi1>, vector<16xf32>
        %add3A_349 = arith.addf %add3A_306, %select_n3A_348 : vector<16xf32>
        %get3A_350 = arith.constant 2 : i32
        %get3A_351 = arith.index_cast %get3A_350 : i32 to index
        %get3A_352 = arith.index_cast %scan3A_222 : i32 to index
        %get3A_353 = arith.index_cast %add3A_326 : i32 to index
        %get3A_354 = tpu.vector_load %arg6[%get3A_351, %get3A_352, %get3A_353] {strides = array<i32>} : memref<4x16x512xf32, #tpu.memory_space<vmem>>, vector<1x1x16xf32>,
        %get3A_355 = vector.shape_cast %get3A_354 : vector<1x1x16xf32> to vector<16xf32>
        %select_n3A_356 = arith.select %eq3A_333, %get3A_355, %broadcast_in_dim3A_3 : vector<16xi1>, vector<16xf32>
        %add3A_357 = arith.addf %add3A_314, %select_n3A_356 : vector<16xf32>
        %get3A_358 = arith.constant 3 : i32
        %get3A_359 = arith.index_cast %get3A_358 : i32 to index
        %get3A_360 = arith.index_cast %scan3A_222 : i32 to index
        %get3A_361 = arith.index_cast %add3A_326 : i32 to index
        %get3A_362 = tpu.vector_load %arg6[%get3A_359, %get3A_360, %get3A_361] {strides = array<i32>} : memref<4x16x512xf32, #tpu.memory_space<vmem>>, vector<1x1x16xf32>,
        %get3A_363 = vector.shape_cast %get3A_362 : vector<1x1x16xf32> to vector<16xf32>
        %select_n3A_364 = arith.select %eq3A_333, %get3A_363, %broadcast_in_dim3A_3 : vector<16xi1>, vector<16xf32>
        %add3A_365 = arith.addf %add3A_322, %select_n3A_364 : vector<16xf32>
        %select_n3A_366 = arith.select %eq3A_333, %broadcast_in_dim3A_5, %broadcast_in_dim3A_3 : vector<16xi1>, vector<16xf32>
        %add3A_367 = arith.addf %add3A_324, %select_n3A_366 : vector<16xf32>
        %add3A_368 = arith.constant 48 : i32
        %add3A_369 = arith.addi %mul3A_241, %add3A_368 : i32
        %get3A_370 = arith.index_cast %scan3A_222 : i32 to index
        %get3A_371 = arith.index_cast %add3A_369 : i32 to index
        %get3A_372 = tpu.vector_load %arg5[%get3A_370, %get3A_371] {strides = array<i32>} : memref<16x512xi32, #tpu.memory_space<vmem>>, vector<1x16xi32>,
        %get3A_373 = vector.shape_cast %get3A_372 : vector<1x16xi32> to vector<16xi32>
        %eq3A_374 = arith.constant 1 : i32
        %eq3A_375 = vector.broadcast %eq3A_374 : i32 to vector<16xi32>
        %eq3A_376 = arith.cmpi eq, %get3A_373, %eq3A_375 : vector<16xi32>
        %get3A_377 = arith.constant 0 : i32
        %get3A_378 = arith.index_cast %get3A_377 : i32 to index
        %get3A_379 = arith.index_cast %scan3A_222 : i32 to index
        %get3A_380 = arith.index_cast %add3A_369 : i32 to index
        %get3A_381 = tpu.vector_load %arg6[%get3A_378, %get3A_379, %get3A_380] {strides = array<i32>} : memref<4x16x512xf32, #tpu.memory_space<vmem>>, vector<1x1x16xf32>,
        %get3A_382 = vector.shape_cast %get3A_381 : vector<1x1x16xf32> to vector<16xf32>
        %select_n3A_383 = arith.select %eq3A_376, %get3A_382, %broadcast_in_dim3A_3 : vector<16xi1>, vector<16xf32>
        %add3A_384 = arith.addf %add3A_341, %select_n3A_383 : vector<16xf32>
        %get3A_385 = arith.constant 1 : i32
        %get3A_386 = arith.index_cast %get3A_385 : i32 to index
        %get3A_387 = arith.index_cast %scan3A_222 : i32 to index
        %get3A_388 = arith.index_cast %add3A_369 : i32 to index
        %get3A_389 = tpu.vector_load %arg6[%get3A_386, %get3A_387, %get3A_388] {strides = array<i32>} : memref<4x16x512xf32, #tpu.memory_space<vmem>>, vector<1x1x16xf32>,
        %get3A_390 = vector.shape_cast %get3A_389 : vector<1x1x16xf32> to vector<16xf32>
        %select_n3A_391 = arith.select %eq3A_376, %get3A_390, %broadcast_in_dim3A_3 : vector<16xi1>, vector<16xf32>
        %add3A_392 = arith.addf %add3A_349, %select_n3A_391 : vector<16xf32>
        %get3A_393 = arith.constant 2 : i32
        %get3A_394 = arith.index_cast %get3A_393 : i32 to index
        %get3A_395 = arith.index_cast %scan3A_222 : i32 to index
        %get3A_396 = arith.index_cast %add3A_369 : i32 to index
        %get3A_397 = tpu.vector_load %arg6[%get3A_394, %get3A_395, %get3A_396] {strides = array<i32>} : memref<4x16x512xf32, #tpu.memory_space<vmem>>, vector<1x1x16xf32>,
        %get3A_398 = vector.shape_cast %get3A_397 : vector<1x1x16xf32> to vector<16xf32>
        %select_n3A_399 = arith.select %eq3A_376, %get3A_398, %broadcast_in_dim3A_3 : vector<16xi1>, vector<16xf32>
        %add3A_400 = arith.addf %add3A_357, %select_n3A_399 : vector<16xf32>
        %get3A_401 = arith.constant 3 : i32
        %get3A_402 = arith.index_cast %get3A_401 : i32 to index
        %get3A_403 = arith.index_cast %scan3A_222 : i32 to index
        %get3A_404 = arith.index_cast %add3A_369 : i32 to index
        %get3A_405 = tpu.vector_load %arg6[%get3A_402, %get3A_403, %get3A_404] {strides = array<i32>} : memref<4x16x512xf32, #tpu.memory_space<vmem>>, vector<1x1x16xf32>,
        %get3A_406 = vector.shape_cast %get3A_405 : vector<1x1x16xf32> to vector<16xf32>
        %select_n3A_407 = arith.select %eq3A_376, %get3A_406, %broadcast_in_dim3A_3 : vector<16xi1>, vector<16xf32>
        %add3A_408 = arith.addf %add3A_365, %select_n3A_407 : vector<16xf32>
        %select_n3A_409 = arith.select %eq3A_376, %broadcast_in_dim3A_5, %broadcast_in_dim3A_3 : vector<16xi1>, vector<16xf32>
        %add3A_410 = arith.addf %add3A_367, %select_n3A_409 : vector<16xf32>
        scf.yield %add3A_384, %add3A_392, %add3A_400, %add3A_408, %add3A_410 : vector<16xf32>, vector<16xf32>, vector<16xf32>, vector<16xf32>, vector<16xf32>
      }
      %scan3A_233 = arith.constant 8 : i32
      scf.yield %scan3A_232#0, %scan3A_232#1, %scan3A_232#2, %scan3A_232#3, %scan3A_232#4 : vector<16xf32>, vector<16xf32>, vector<16xf32>, vector<16xf32>, vector<16xf32>
    }
    %scan3A_132 = arith.constant 16 : i32
    %dma_start3A_133 = arith.constant 15 : i32
    %dma_start3A_134 = arith.constant 0 : i32
    %dma_start3A_135 = tpu.memref_slice %arg3[%dma_start3A_133, %mul3A_2, %dma_start3A_134] : memref<16x512x512xi32, #tpu.memory_space<hbm>> -> memref<1x16x512xi32, #tpu.memory_space<hbm>>
    %dma_start3A_136 = tpu.memref_squeeze %dma_start3A_135 : memref<1x16x512xi32, #tpu.memory_space<hbm>> -> memref<16x512xi32, #tpu.memory_space<hbm>>
    %dma_start3A_137 = arith.constant 0 : i32
    %dma_start3A_138 = tpu.memref_slice %arg3[%dma_start3A_133, %mul3A_2, %dma_start3A_137] : memref<16x512x512xi32, #tpu.memory_space<hbm>> -> memref<1x16x512xi32, #tpu.memory_space<hbm>>
    %dma_start3A_139 = tpu.memref_squeeze %dma_start3A_138 : memref<1x16x512xi32, #tpu.memory_space<hbm>> -> memref<16x512xi32, #tpu.memory_space<hbm>>
    tpu.enqueue_dma source(%dma_start3A_139 : memref<16x512xi32, #tpu.memory_space<hbm>>) target(%arg5 : memref<16x512xi32, #tpu.memory_space<vmem>>) target_semaphore(%arg10 : memref<!tpu.dma_semaphore, #tpu.memory_space<semaphore_mem>>)
    %dma_start3A_140 = arith.constant 15 : i32
    %dma_start3A_141 = arith.constant 1 : i32
    %dma_start3A_142 = arith.constant 0 : i32
    %dma_start3A_143 = tpu.memref_slice %arg2[%dma_start3A_140, %dma_start3A_141, %mul3A_2, %dma_start3A_142] : memref<16x5x512x512xf32, #tpu.memory_space<hbm>> -> memref<1x4x16x512xf32, #tpu.memory_space<hbm>>
    %dma_start3A_144 = tpu.memref_squeeze %dma_start3A_143 : memref<1x4x16x512xf32, #tpu.memory_space<hbm>> -> memref<4x16x512xf32, #tpu.memory_space<hbm>>
    %dma_start3A_145 = arith.constant 1 : i32
    %dma_start3A_146 = arith.constant 0 : i32
    %dma_start3A_147 = tpu.memref_slice %arg2[%dma_start3A_140, %dma_start3A_145, %mul3A_2, %dma_start3A_146] : memref<16x5x512x512xf32, #tpu.memory_space<hbm>> -> memref<1x4x16x512xf32, #tpu.memory_space<hbm>>
    %dma_start3A_148 = tpu.memref_squeeze %dma_start3A_147 : memref<1x4x16x512xf32, #tpu.memory_space<hbm>> -> memref<4x16x512xf32, #tpu.memory_space<hbm>>
    tpu.enqueue_dma source(%dma_start3A_148 : memref<4x16x512xf32, #tpu.memory_space<hbm>>) target(%arg6 : memref<4x16x512xf32, #tpu.memory_space<vmem>>) target_semaphore(%arg10 : memref<!tpu.dma_semaphore, #tpu.memory_space<semaphore_mem>>)
    %dma_wait3A_149 = arith.constant 14 : i32
    %dma_wait3A_150 = arith.constant 0 : i32
    %dma_wait3A_151 = tpu.memref_slice %arg3[%dma_wait3A_149, %mul3A_2, %dma_wait3A_150] : memref<16x512x512xi32, #tpu.memory_space<hbm>> -> memref<1x16x512xi32, #tpu.memory_space<hbm>>
    %dma_wait3A_152 = tpu.memref_squeeze %dma_wait3A_151 : memref<1x16x512xi32, #tpu.memory_space<hbm>> -> memref<16x512xi32, #tpu.memory_space<hbm>>
    %dma_wait3A_153 = arith.constant 0 : i32
    %dma_wait3A_154 = tpu.memref_slice %arg3[%dma_wait3A_149, %mul3A_2, %dma_wait3A_153] : memref<16x512x512xi32, #tpu.memory_space<hbm>> -> memref<1x16x512xi32, #tpu.memory_space<hbm>>
    %dma_wait3A_155 = tpu.memref_squeeze %dma_wait3A_154 : memref<1x16x512xi32, #tpu.memory_space<hbm>> -> memref<16x512xi32, #tpu.memory_space<hbm>>
    tpu.wait_dma2 semaphore(%arg11 : memref<!tpu.dma_semaphore, #tpu.memory_space<semaphore_mem>>) src(%dma_wait3A_155 : memref<16x512xi32, #tpu.memory_space<hbm>>) dst(%arg7 : memref<16x512xi32, #tpu.memory_space<vmem>>)
    %dma_wait3A_156 = arith.constant 14 : i32
    %dma_wait3A_157 = arith.constant 1 : i32
    %dma_wait3A_158 = arith.constant 0 : i32
    %dma_wait3A_159 = tpu.memref_slice %arg2[%dma_wait3A_156, %dma_wait3A_157, %mul3A_2, %dma_wait3A_158] : memref<16x5x512x512xf32, #tpu.memory_space<hbm>> -> memref<1x4x16x512xf32, #tpu.memory_space<hbm>>
    %dma_wait3A_160 = tpu.memref_squeeze %dma_wait3A_159 : memref<1x4x16x512xf32, #tpu.memory_space<hbm>> -> memref<4x16x512xf32, #tpu.memory_space<hbm>>
    %dma_wait3A_161 = arith.constant 1 : i32
    %dma_wait3A_162 = arith.constant 0 : i32
    %dma_wait3A_163 = tpu.memref_slice %arg2[%dma_wait3A_156, %dma_wait3A_161, %mul3A_2, %dma_wait3A_162] : memref<16x5x512x512xf32, #tpu.memory_space<hbm>> -> memref<1x4x16x512xf32, #tpu.memory_space<hbm>>
    %dma_wait3A_164 = tpu.memref_squeeze %dma_wait3A_163 : memref<1x4x16x512xf32, #tpu.memory_space<hbm>> -> memref<4x16x512xf32, #tpu.memory_space<hbm>>
    tpu.wait_dma2 semaphore(%arg11 : memref<!tpu.dma_semaphore, #tpu.memory_space<semaphore_mem>>) src(%dma_wait3A_164 : memref<4x16x512xf32, #tpu.memory_space<hbm>>) dst(%arg8 : memref<4x16x512xf32, #tpu.memory_space<vmem>>)
    %scan3A_165 = arith.constant 0 : i32
    %scan3A_166 = arith.constant 16 : i32
    %scan3A_167 = arith.addi %scan3A_165, %scan3A_166 : i32
    %scan3A_168 = arith.constant 1 : i32
    %scan3A_169:5 = scf.for %scan3A_222 = %scan3A_165 to %scan3A_167 step %scan3A_168 iter_args(%scan3A_223 = %scan3A_131#0, %scan3A_224 = %scan3A_131#1, %scan3A_225 = %scan3A_131#2, %scan3A_226 = %scan3A_131#3, %scan3A_227 = %scan3A_131#4) -> (vector<16xf32>, vector<16xf32>, vector<16xf32>, vector<16xf32>, vector<16xf32>)  : i32 {
      %scan3A_228 = arith.constant 0 : i32
      %scan3A_229 = arith.constant 8 : i32
      %scan3A_230 = arith.addi %scan3A_228, %scan3A_229 : i32
      %scan3A_231 = arith.constant 1 : i32
      %scan3A_232:5 = scf.for %scan3A_234 = %scan3A_228 to %scan3A_230 step %scan3A_231 iter_args(%scan3A_235 = %scan3A_223, %scan3A_236 = %scan3A_224, %scan3A_237 = %scan3A_225, %scan3A_238 = %scan3A_226, %scan3A_239 = %scan3A_227) -> (vector<16xf32>, vector<16xf32>, vector<16xf32>, vector<16xf32>, vector<16xf32>)  : i32 {
        %mul3A_240 = arith.constant 64 : i32
        %mul3A_241 = arith.muli %scan3A_234, %mul3A_240 : i32
        %add3A_242 = arith.constant 0 : i32
        %add3A_243 = arith.addi %mul3A_241, %add3A_242 : i32
        %get3A = arith.index_cast %scan3A_222 : i32 to index
        %get3A_244 = arith.index_cast %add3A_243 : i32 to index
        %get3A_245 = tpu.vector_load %arg7[%get3A, %get3A_244] {strides = array<i32>} : memref<16x512xi32, #tpu.memory_space<vmem>>, vector<1x16xi32>,
        %get3A_246 = vector.shape_cast %get3A_245 : vector<1x16xi32> to vector<16xi32>
        %eq3A = arith.constant 1 : i32
        %eq3A_247 = vector.broadcast %eq3A : i32 to vector<16xi32>
        %eq3A_248 = arith.cmpi eq, %get3A_246, %eq3A_247 : vector<16xi32>
        %get3A_249 = arith.constant 0 : i32
        %get3A_250 = arith.index_cast %get3A_249 : i32 to index
        %get3A_251 = arith.index_cast %scan3A_222 : i32 to index
        %get3A_252 = arith.index_cast %add3A_243 : i32 to index
        %get3A_253 = tpu.vector_load %arg8[%get3A_250, %get3A_251, %get3A_252] {strides = array<i32>} : memref<4x16x512xf32, #tpu.memory_space<vmem>>, vector<1x1x16xf32>,
        %get3A_254 = vector.shape_cast %get3A_253 : vector<1x1x16xf32> to vector<16xf32>
        %select_n3A = arith.select %eq3A_248, %get3A_254, %broadcast_in_dim3A_3 : vector<16xi1>, vector<16xf32>
        %add3A_255 = arith.addf %scan3A_235, %select_n3A : vector<16xf32>
        %get3A_256 = arith.constant 1 : i32
        %get3A_257 = arith.index_cast %get3A_256 : i32 to index
        %get3A_258 = arith.index_cast %scan3A_222 : i32 to index
        %get3A_259 = arith.index_cast %add3A_243 : i32 to index
        %get3A_260 = tpu.vector_load %arg8[%get3A_257, %get3A_258, %get3A_259] {strides = array<i32>} : memref<4x16x512xf32, #tpu.memory_space<vmem>>, vector<1x1x16xf32>,
        %get3A_261 = vector.shape_cast %get3A_260 : vector<1x1x16xf32> to vector<16xf32>
        %select_n3A_262 = arith.select %eq3A_248, %get3A_261, %broadcast_in_dim3A_3 : vector<16xi1>, vector<16xf32>
        %add3A_263 = arith.addf %scan3A_236, %select_n3A_262 : vector<16xf32>
        %get3A_264 = arith.constant 2 : i32
        %get3A_265 = arith.index_cast %get3A_264 : i32 to index
        %get3A_266 = arith.index_cast %scan3A_222 : i32 to index
        %get3A_267 = arith.index_cast %add3A_243 : i32 to index
        %get3A_268 = tpu.vector_load %arg8[%get3A_265, %get3A_266, %get3A_267] {strides = array<i32>} : memref<4x16x512xf32, #tpu.memory_space<vmem>>, vector<1x1x16xf32>,
        %get3A_269 = vector.shape_cast %get3A_268 : vector<1x1x16xf32> to vector<16xf32>
        %select_n3A_270 = arith.select %eq3A_248, %get3A_269, %broadcast_in_dim3A_3 : vector<16xi1>, vector<16xf32>
        %add3A_271 = arith.addf %scan3A_237, %select_n3A_270 : vector<16xf32>
        %get3A_272 = arith.constant 3 : i32
        %get3A_273 = arith.index_cast %get3A_272 : i32 to index
        %get3A_274 = arith.index_cast %scan3A_222 : i32 to index
        %get3A_275 = arith.index_cast %add3A_243 : i32 to index
        %get3A_276 = tpu.vector_load %arg8[%get3A_273, %get3A_274, %get3A_275] {strides = array<i32>} : memref<4x16x512xf32, #tpu.memory_space<vmem>>, vector<1x1x16xf32>,
        %get3A_277 = vector.shape_cast %get3A_276 : vector<1x1x16xf32> to vector<16xf32>
        %select_n3A_278 = arith.select %eq3A_248, %get3A_277, %broadcast_in_dim3A_3 : vector<16xi1>, vector<16xf32>
        %add3A_279 = arith.addf %scan3A_238, %select_n3A_278 : vector<16xf32>
        %select_n3A_280 = arith.select %eq3A_248, %broadcast_in_dim3A_5, %broadcast_in_dim3A_3 : vector<16xi1>, vector<16xf32>
        %add3A_281 = arith.addf %scan3A_239, %select_n3A_280 : vector<16xf32>
        %add3A_282 = arith.constant 16 : i32
        %add3A_283 = arith.addi %mul3A_241, %add3A_282 : i32
        %get3A_284 = arith.index_cast %scan3A_222 : i32 to index
        %get3A_285 = arith.index_cast %add3A_283 : i32 to index
        %get3A_286 = tpu.vector_load %arg7[%get3A_284, %get3A_285] {strides = array<i32>} : memref<16x512xi32, #tpu.memory_space<vmem>>, vector<1x16xi32>,
        %get3A_287 = vector.shape_cast %get3A_286 : vector<1x16xi32> to vector<16xi32>
        %eq3A_288 = arith.constant 1 : i32
        %eq3A_289 = vector.broadcast %eq3A_288 : i32 to vector<16xi32>
        %eq3A_290 = arith.cmpi eq, %get3A_287, %eq3A_289 : vector<16xi32>
        %get3A_291 = arith.constant 0 : i32
        %get3A_292 = arith.index_cast %get3A_291 : i32 to index
        %get3A_293 = arith.index_cast %scan3A_222 : i32 to index
        %get3A_294 = arith.index_cast %add3A_283 : i32 to index
        %get3A_295 = tpu.vector_load %arg8[%get3A_292, %get3A_293, %get3A_294] {strides = array<i32>} : memref<4x16x512xf32, #tpu.memory_space<vmem>>, vector<1x1x16xf32>,
        %get3A_296 = vector.shape_cast %get3A_295 : vector<1x1x16xf32> to vector<16xf32>
        %select_n3A_297 = arith.select %eq3A_290, %get3A_296, %broadcast_in_dim3A_3 : vector<16xi1>, vector<16xf32>
        %add3A_298 = arith.addf %add3A_255, %select_n3A_297 : vector<16xf32>
        %get3A_299 = arith.constant 1 : i32
        %get3A_300 = arith.index_cast %get3A_299 : i32 to index
        %get3A_301 = arith.index_cast %scan3A_222 : i32 to index
        %get3A_302 = arith.index_cast %add3A_283 : i32 to index
        %get3A_303 = tpu.vector_load %arg8[%get3A_300, %get3A_301, %get3A_302] {strides = array<i32>} : memref<4x16x512xf32, #tpu.memory_space<vmem>>, vector<1x1x16xf32>,
        %get3A_304 = vector.shape_cast %get3A_303 : vector<1x1x16xf32> to vector<16xf32>
        %select_n3A_305 = arith.select %eq3A_290, %get3A_304, %broadcast_in_dim3A_3 : vector<16xi1>, vector<16xf32>
        %add3A_306 = arith.addf %add3A_263, %select_n3A_305 : vector<16xf32>
        %get3A_307 = arith.constant 2 : i32
        %get3A_308 = arith.index_cast %get3A_307 : i32 to index
        %get3A_309 = arith.index_cast %scan3A_222 : i32 to index
        %get3A_310 = arith.index_cast %add3A_283 : i32 to index
        %get3A_311 = tpu.vector_load %arg8[%get3A_308, %get3A_309, %get3A_310] {strides = array<i32>} : memref<4x16x512xf32, #tpu.memory_space<vmem>>, vector<1x1x16xf32>,
        %get3A_312 = vector.shape_cast %get3A_311 : vector<1x1x16xf32> to vector<16xf32>
        %select_n3A_313 = arith.select %eq3A_290, %get3A_312, %broadcast_in_dim3A_3 : vector<16xi1>, vector<16xf32>
        %add3A_314 = arith.addf %add3A_271, %select_n3A_313 : vector<16xf32>
        %get3A_315 = arith.constant 3 : i32
        %get3A_316 = arith.index_cast %get3A_315 : i32 to index
        %get3A_317 = arith.index_cast %scan3A_222 : i32 to index
        %get3A_318 = arith.index_cast %add3A_283 : i32 to index
        %get3A_319 = tpu.vector_load %arg8[%get3A_316, %get3A_317, %get3A_318] {strides = array<i32>} : memref<4x16x512xf32, #tpu.memory_space<vmem>>, vector<1x1x16xf32>,
        %get3A_320 = vector.shape_cast %get3A_319 : vector<1x1x16xf32> to vector<16xf32>
        %select_n3A_321 = arith.select %eq3A_290, %get3A_320, %broadcast_in_dim3A_3 : vector<16xi1>, vector<16xf32>
        %add3A_322 = arith.addf %add3A_279, %select_n3A_321 : vector<16xf32>
        %select_n3A_323 = arith.select %eq3A_290, %broadcast_in_dim3A_5, %broadcast_in_dim3A_3 : vector<16xi1>, vector<16xf32>
        %add3A_324 = arith.addf %add3A_281, %select_n3A_323 : vector<16xf32>
        %add3A_325 = arith.constant 32 : i32
        %add3A_326 = arith.addi %mul3A_241, %add3A_325 : i32
        %get3A_327 = arith.index_cast %scan3A_222 : i32 to index
        %get3A_328 = arith.index_cast %add3A_326 : i32 to index
        %get3A_329 = tpu.vector_load %arg7[%get3A_327, %get3A_328] {strides = array<i32>} : memref<16x512xi32, #tpu.memory_space<vmem>>, vector<1x16xi32>,
        %get3A_330 = vector.shape_cast %get3A_329 : vector<1x16xi32> to vector<16xi32>
        %eq3A_331 = arith.constant 1 : i32
        %eq3A_332 = vector.broadcast %eq3A_331 : i32 to vector<16xi32>
        %eq3A_333 = arith.cmpi eq, %get3A_330, %eq3A_332 : vector<16xi32>
        %get3A_334 = arith.constant 0 : i32
        %get3A_335 = arith.index_cast %get3A_334 : i32 to index
        %get3A_336 = arith.index_cast %scan3A_222 : i32 to index
        %get3A_337 = arith.index_cast %add3A_326 : i32 to index
        %get3A_338 = tpu.vector_load %arg8[%get3A_335, %get3A_336, %get3A_337] {strides = array<i32>} : memref<4x16x512xf32, #tpu.memory_space<vmem>>, vector<1x1x16xf32>,
        %get3A_339 = vector.shape_cast %get3A_338 : vector<1x1x16xf32> to vector<16xf32>
        %select_n3A_340 = arith.select %eq3A_333, %get3A_339, %broadcast_in_dim3A_3 : vector<16xi1>, vector<16xf32>
        %add3A_341 = arith.addf %add3A_298, %select_n3A_340 : vector<16xf32>
        %get3A_342 = arith.constant 1 : i32
        %get3A_343 = arith.index_cast %get3A_342 : i32 to index
        %get3A_344 = arith.index_cast %scan3A_222 : i32 to index
        %get3A_345 = arith.index_cast %add3A_326 : i32 to index
        %get3A_346 = tpu.vector_load %arg8[%get3A_343, %get3A_344, %get3A_345] {strides = array<i32>} : memref<4x16x512xf32, #tpu.memory_space<vmem>>, vector<1x1x16xf32>,
        %get3A_347 = vector.shape_cast %get3A_346 : vector<1x1x16xf32> to vector<16xf32>
        %select_n3A_348 = arith.select %eq3A_333, %get3A_347, %broadcast_in_dim3A_3 : vector<16xi1>, vector<16xf32>
        %add3A_349 = arith.addf %add3A_306, %select_n3A_348 : vector<16xf32>
        %get3A_350 = arith.constant 2 : i32
        %get3A_351 = arith.index_cast %get3A_350 : i32 to index
        %get3A_352 = arith.index_cast %scan3A_222 : i32 to index
        %get3A_353 = arith.index_cast %add3A_326 : i32 to index
        %get3A_354 = tpu.vector_load %arg8[%get3A_351, %get3A_352, %get3A_353] {strides = array<i32>} : memref<4x16x512xf32, #tpu.memory_space<vmem>>, vector<1x1x16xf32>,
        %get3A_355 = vector.shape_cast %get3A_354 : vector<1x1x16xf32> to vector<16xf32>
        %select_n3A_356 = arith.select %eq3A_333, %get3A_355, %broadcast_in_dim3A_3 : vector<16xi1>, vector<16xf32>
        %add3A_357 = arith.addf %add3A_314, %select_n3A_356 : vector<16xf32>
        %get3A_358 = arith.constant 3 : i32
        %get3A_359 = arith.index_cast %get3A_358 : i32 to index
        %get3A_360 = arith.index_cast %scan3A_222 : i32 to index
        %get3A_361 = arith.index_cast %add3A_326 : i32 to index
        %get3A_362 = tpu.vector_load %arg8[%get3A_359, %get3A_360, %get3A_361] {strides = array<i32>} : memref<4x16x512xf32, #tpu.memory_space<vmem>>, vector<1x1x16xf32>,
        %get3A_363 = vector.shape_cast %get3A_362 : vector<1x1x16xf32> to vector<16xf32>
        %select_n3A_364 = arith.select %eq3A_333, %get3A_363, %broadcast_in_dim3A_3 : vector<16xi1>, vector<16xf32>
        %add3A_365 = arith.addf %add3A_322, %select_n3A_364 : vector<16xf32>
        %select_n3A_366 = arith.select %eq3A_333, %broadcast_in_dim3A_5, %broadcast_in_dim3A_3 : vector<16xi1>, vector<16xf32>
        %add3A_367 = arith.addf %add3A_324, %select_n3A_366 : vector<16xf32>
        %add3A_368 = arith.constant 48 : i32
        %add3A_369 = arith.addi %mul3A_241, %add3A_368 : i32
        %get3A_370 = arith.index_cast %scan3A_222 : i32 to index
        %get3A_371 = arith.index_cast %add3A_369 : i32 to index
        %get3A_372 = tpu.vector_load %arg7[%get3A_370, %get3A_371] {strides = array<i32>} : memref<16x512xi32, #tpu.memory_space<vmem>>, vector<1x16xi32>,
        %get3A_373 = vector.shape_cast %get3A_372 : vector<1x16xi32> to vector<16xi32>
        %eq3A_374 = arith.constant 1 : i32
        %eq3A_375 = vector.broadcast %eq3A_374 : i32 to vector<16xi32>
        %eq3A_376 = arith.cmpi eq, %get3A_373, %eq3A_375 : vector<16xi32>
        %get3A_377 = arith.constant 0 : i32
        %get3A_378 = arith.index_cast %get3A_377 : i32 to index
        %get3A_379 = arith.index_cast %scan3A_222 : i32 to index
        %get3A_380 = arith.index_cast %add3A_369 : i32 to index
        %get3A_381 = tpu.vector_load %arg8[%get3A_378, %get3A_379, %get3A_380] {strides = array<i32>} : memref<4x16x512xf32, #tpu.memory_space<vmem>>, vector<1x1x16xf32>,
        %get3A_382 = vector.shape_cast %get3A_381 : vector<1x1x16xf32> to vector<16xf32>
        %select_n3A_383 = arith.select %eq3A_376, %get3A_382, %broadcast_in_dim3A_3 : vector<16xi1>, vector<16xf32>
        %add3A_384 = arith.addf %add3A_341, %select_n3A_383 : vector<16xf32>
        %get3A_385 = arith.constant 1 : i32
        %get3A_386 = arith.index_cast %get3A_385 : i32 to index
        %get3A_387 = arith.index_cast %scan3A_222 : i32 to index
        %get3A_388 = arith.index_cast %add3A_369 : i32 to index
        %get3A_389 = tpu.vector_load %arg8[%get3A_386, %get3A_387, %get3A_388] {strides = array<i32>} : memref<4x16x512xf32, #tpu.memory_space<vmem>>, vector<1x1x16xf32>,
        %get3A_390 = vector.shape_cast %get3A_389 : vector<1x1x16xf32> to vector<16xf32>
        %select_n3A_391 = arith.select %eq3A_376, %get3A_390, %broadcast_in_dim3A_3 : vector<16xi1>, vector<16xf32>
        %add3A_392 = arith.addf %add3A_349, %select_n3A_391 : vector<16xf32>
        %get3A_393 = arith.constant 2 : i32
        %get3A_394 = arith.index_cast %get3A_393 : i32 to index
        %get3A_395 = arith.index_cast %scan3A_222 : i32 to index
        %get3A_396 = arith.index_cast %add3A_369 : i32 to index
        %get3A_397 = tpu.vector_load %arg8[%get3A_394, %get3A_395, %get3A_396] {strides = array<i32>} : memref<4x16x512xf32, #tpu.memory_space<vmem>>, vector<1x1x16xf32>,
        %get3A_398 = vector.shape_cast %get3A_397 : vector<1x1x16xf32> to vector<16xf32>
        %select_n3A_399 = arith.select %eq3A_376, %get3A_398, %broadcast_in_dim3A_3 : vector<16xi1>, vector<16xf32>
        %add3A_400 = arith.addf %add3A_357, %select_n3A_399 : vector<16xf32>
        %get3A_401 = arith.constant 3 : i32
        %get3A_402 = arith.index_cast %get3A_401 : i32 to index
        %get3A_403 = arith.index_cast %scan3A_222 : i32 to index
        %get3A_404 = arith.index_cast %add3A_369 : i32 to index
        %get3A_405 = tpu.vector_load %arg8[%get3A_402, %get3A_403, %get3A_404] {strides = array<i32>} : memref<4x16x512xf32, #tpu.memory_space<vmem>>, vector<1x1x16xf32>,
        %get3A_406 = vector.shape_cast %get3A_405 : vector<1x1x16xf32> to vector<16xf32>
        %select_n3A_407 = arith.select %eq3A_376, %get3A_406, %broadcast_in_dim3A_3 : vector<16xi1>, vector<16xf32>
        %add3A_408 = arith.addf %add3A_365, %select_n3A_407 : vector<16xf32>
        %select_n3A_409 = arith.select %eq3A_376, %broadcast_in_dim3A_5, %broadcast_in_dim3A_3 : vector<16xi1>, vector<16xf32>
        %add3A_410 = arith.addf %add3A_367, %select_n3A_409 : vector<16xf32>
        scf.yield %add3A_384, %add3A_392, %add3A_400, %add3A_408, %add3A_410 : vector<16xf32>, vector<16xf32>, vector<16xf32>, vector<16xf32>, vector<16xf32>
      }
      %scan3A_233 = arith.constant 8 : i32
      scf.yield %scan3A_232#0, %scan3A_232#1, %scan3A_232#2, %scan3A_232#3, %scan3A_232#4 : vector<16xf32>, vector<16xf32>, vector<16xf32>, vector<16xf32>, vector<16xf32>
    }
    %scan3A_170 = arith.constant 16 : i32
    %dma_wait3A_171 = arith.constant 15 : i32
    %dma_wait3A_172 = arith.constant 0 : i32
    %dma_wait3A_173 = tpu.memref_slice %arg3[%dma_wait3A_171, %mul3A_2, %dma_wait3A_172] : memref<16x512x512xi32, #tpu.memory_space<hbm>> -> memref<1x16x512xi32, #tpu.memory_space<hbm>>
    %dma_wait3A_174 = tpu.memref_squeeze %dma_wait3A_173 : memref<1x16x512xi32, #tpu.memory_space<hbm>> -> memref<16x512xi32, #tpu.memory_space<hbm>>
    %dma_wait3A_175 = arith.constant 0 : i32
    %dma_wait3A_176 = tpu.memref_slice %arg3[%dma_wait3A_171, %mul3A_2, %dma_wait3A_175] : memref<16x512x512xi32, #tpu.memory_space<hbm>> -> memref<1x16x512xi32, #tpu.memory_space<hbm>>
    %dma_wait3A_177 = tpu.memref_squeeze %dma_wait3A_176 : memref<1x16x512xi32, #tpu.memory_space<hbm>> -> memref<16x512xi32, #tpu.memory_space<hbm>>
    tpu.wait_dma2 semaphore(%arg10 : memref<!tpu.dma_semaphore, #tpu.memory_space<semaphore_mem>>) src(%dma_wait3A_177 : memref<16x512xi32, #tpu.memory_space<hbm>>) dst(%arg5 : memref<16x512xi32, #tpu.memory_space<vmem>>)
    %dma_wait3A_178 = arith.constant 15 : i32
    %dma_wait3A_179 = arith.constant 1 : i32
    %dma_wait3A_180 = arith.constant 0 : i32
    %dma_wait3A_181 = tpu.memref_slice %arg2[%dma_wait3A_178, %dma_wait3A_179, %mul3A_2, %dma_wait3A_180] : memref<16x5x512x512xf32, #tpu.memory_space<hbm>> -> memref<1x4x16x512xf32, #tpu.memory_space<hbm>>
    %dma_wait3A_182 = tpu.memref_squeeze %dma_wait3A_181 : memref<1x4x16x512xf32, #tpu.memory_space<hbm>> -> memref<4x16x512xf32, #tpu.memory_space<hbm>>
    %dma_wait3A_183 = arith.constant 1 : i32
    %dma_wait3A_184 = arith.constant 0 : i32
    %dma_wait3A_185 = tpu.memref_slice %arg2[%dma_wait3A_178, %dma_wait3A_183, %mul3A_2, %dma_wait3A_184] : memref<16x5x512x512xf32, #tpu.memory_space<hbm>> -> memref<1x4x16x512xf32, #tpu.memory_space<hbm>>
    %dma_wait3A_186 = tpu.memref_squeeze %dma_wait3A_185 : memref<1x4x16x512xf32, #tpu.memory_space<hbm>> -> memref<4x16x512xf32, #tpu.memory_space<hbm>>
    tpu.wait_dma2 semaphore(%arg10 : memref<!tpu.dma_semaphore, #tpu.memory_space<semaphore_mem>>) src(%dma_wait3A_186 : memref<4x16x512xf32, #tpu.memory_space<hbm>>) dst(%arg6 : memref<4x16x512xf32, #tpu.memory_space<vmem>>)
    %scan3A_187 = arith.constant 0 : i32
    %scan3A_188 = arith.constant 16 : i32
    %scan3A_189 = arith.addi %scan3A_187, %scan3A_188 : i32
    %scan3A_190 = arith.constant 1 : i32
    %scan3A_191:5 = scf.for %scan3A_222 = %scan3A_187 to %scan3A_189 step %scan3A_190 iter_args(%scan3A_223 = %scan3A_169#0, %scan3A_224 = %scan3A_169#1, %scan3A_225 = %scan3A_169#2, %scan3A_226 = %scan3A_169#3, %scan3A_227 = %scan3A_169#4) -> (vector<16xf32>, vector<16xf32>, vector<16xf32>, vector<16xf32>, vector<16xf32>)  : i32 {
      %scan3A_228 = arith.constant 0 : i32
      %scan3A_229 = arith.constant 8 : i32
      %scan3A_230 = arith.addi %scan3A_228, %scan3A_229 : i32
      %scan3A_231 = arith.constant 1 : i32
      %scan3A_232:5 = scf.for %scan3A_234 = %scan3A_228 to %scan3A_230 step %scan3A_231 iter_args(%scan3A_235 = %scan3A_223, %scan3A_236 = %scan3A_224, %scan3A_237 = %scan3A_225, %scan3A_238 = %scan3A_226, %scan3A_239 = %scan3A_227) -> (vector<16xf32>, vector<16xf32>, vector<16xf32>, vector<16xf32>, vector<16xf32>)  : i32 {
        %mul3A_240 = arith.constant 64 : i32
        %mul3A_241 = arith.muli %scan3A_234, %mul3A_240 : i32
        %add3A_242 = arith.constant 0 : i32
        %add3A_243 = arith.addi %mul3A_241, %add3A_242 : i32
        %get3A = arith.index_cast %scan3A_222 : i32 to index
        %get3A_244 = arith.index_cast %add3A_243 : i32 to index
        %get3A_245 = tpu.vector_load %arg5[%get3A, %get3A_244] {strides = array<i32>} : memref<16x512xi32, #tpu.memory_space<vmem>>, vector<1x16xi32>,
        %get3A_246 = vector.shape_cast %get3A_245 : vector<1x16xi32> to vector<16xi32>
        %eq3A = arith.constant 1 : i32
        %eq3A_247 = vector.broadcast %eq3A : i32 to vector<16xi32>
        %eq3A_248 = arith.cmpi eq, %get3A_246, %eq3A_247 : vector<16xi32>
        %get3A_249 = arith.constant 0 : i32
        %get3A_250 = arith.index_cast %get3A_249 : i32 to index
        %get3A_251 = arith.index_cast %scan3A_222 : i32 to index
        %get3A_252 = arith.index_cast %add3A_243 : i32 to index
        %get3A_253 = tpu.vector_load %arg6[%get3A_250, %get3A_251, %get3A_252] {strides = array<i32>} : memref<4x16x512xf32, #tpu.memory_space<vmem>>, vector<1x1x16xf32>,
        %get3A_254 = vector.shape_cast %get3A_253 : vector<1x1x16xf32> to vector<16xf32>
        %select_n3A = arith.select %eq3A_248, %get3A_254, %broadcast_in_dim3A_3 : vector<16xi1>, vector<16xf32>
        %add3A_255 = arith.addf %scan3A_235, %select_n3A : vector<16xf32>
        %get3A_256 = arith.constant 1 : i32
        %get3A_257 = arith.index_cast %get3A_256 : i32 to index
        %get3A_258 = arith.index_cast %scan3A_222 : i32 to index
        %get3A_259 = arith.index_cast %add3A_243 : i32 to index
        %get3A_260 = tpu.vector_load %arg6[%get3A_257, %get3A_258, %get3A_259] {strides = array<i32>} : memref<4x16x512xf32, #tpu.memory_space<vmem>>, vector<1x1x16xf32>,
        %get3A_261 = vector.shape_cast %get3A_260 : vector<1x1x16xf32> to vector<16xf32>
        %select_n3A_262 = arith.select %eq3A_248, %get3A_261, %broadcast_in_dim3A_3 : vector<16xi1>, vector<16xf32>
        %add3A_263 = arith.addf %scan3A_236, %select_n3A_262 : vector<16xf32>
        %get3A_264 = arith.constant 2 : i32
        %get3A_265 = arith.index_cast %get3A_264 : i32 to index
        %get3A_266 = arith.index_cast %scan3A_222 : i32 to index
        %get3A_267 = arith.index_cast %add3A_243 : i32 to index
        %get3A_268 = tpu.vector_load %arg6[%get3A_265, %get3A_266, %get3A_267] {strides = array<i32>} : memref<4x16x512xf32, #tpu.memory_space<vmem>>, vector<1x1x16xf32>,
        %get3A_269 = vector.shape_cast %get3A_268 : vector<1x1x16xf32> to vector<16xf32>
        %select_n3A_270 = arith.select %eq3A_248, %get3A_269, %broadcast_in_dim3A_3 : vector<16xi1>, vector<16xf32>
        %add3A_271 = arith.addf %scan3A_237, %select_n3A_270 : vector<16xf32>
        %get3A_272 = arith.constant 3 : i32
        %get3A_273 = arith.index_cast %get3A_272 : i32 to index
        %get3A_274 = arith.index_cast %scan3A_222 : i32 to index
        %get3A_275 = arith.index_cast %add3A_243 : i32 to index
        %get3A_276 = tpu.vector_load %arg6[%get3A_273, %get3A_274, %get3A_275] {strides = array<i32>} : memref<4x16x512xf32, #tpu.memory_space<vmem>>, vector<1x1x16xf32>,
        %get3A_277 = vector.shape_cast %get3A_276 : vector<1x1x16xf32> to vector<16xf32>
        %select_n3A_278 = arith.select %eq3A_248, %get3A_277, %broadcast_in_dim3A_3 : vector<16xi1>, vector<16xf32>
        %add3A_279 = arith.addf %scan3A_238, %select_n3A_278 : vector<16xf32>
        %select_n3A_280 = arith.select %eq3A_248, %broadcast_in_dim3A_5, %broadcast_in_dim3A_3 : vector<16xi1>, vector<16xf32>
        %add3A_281 = arith.addf %scan3A_239, %select_n3A_280 : vector<16xf32>
        %add3A_282 = arith.constant 16 : i32
        %add3A_283 = arith.addi %mul3A_241, %add3A_282 : i32
        %get3A_284 = arith.index_cast %scan3A_222 : i32 to index
        %get3A_285 = arith.index_cast %add3A_283 : i32 to index
        %get3A_286 = tpu.vector_load %arg5[%get3A_284, %get3A_285] {strides = array<i32>} : memref<16x512xi32, #tpu.memory_space<vmem>>, vector<1x16xi32>,
        %get3A_287 = vector.shape_cast %get3A_286 : vector<1x16xi32> to vector<16xi32>
        %eq3A_288 = arith.constant 1 : i32
        %eq3A_289 = vector.broadcast %eq3A_288 : i32 to vector<16xi32>
        %eq3A_290 = arith.cmpi eq, %get3A_287, %eq3A_289 : vector<16xi32>
        %get3A_291 = arith.constant 0 : i32
        %get3A_292 = arith.index_cast %get3A_291 : i32 to index
        %get3A_293 = arith.index_cast %scan3A_222 : i32 to index
        %get3A_294 = arith.index_cast %add3A_283 : i32 to index
        %get3A_295 = tpu.vector_load %arg6[%get3A_292, %get3A_293, %get3A_294] {strides = array<i32>} : memref<4x16x512xf32, #tpu.memory_space<vmem>>, vector<1x1x16xf32>,
        %get3A_296 = vector.shape_cast %get3A_295 : vector<1x1x16xf32> to vector<16xf32>
        %select_n3A_297 = arith.select %eq3A_290, %get3A_296, %broadcast_in_dim3A_3 : vector<16xi1>, vector<16xf32>
        %add3A_298 = arith.addf %add3A_255, %select_n3A_297 : vector<16xf32>
        %get3A_299 = arith.constant 1 : i32
        %get3A_300 = arith.index_cast %get3A_299 : i32 to index
        %get3A_301 = arith.index_cast %scan3A_222 : i32 to index
        %get3A_302 = arith.index_cast %add3A_283 : i32 to index
        %get3A_303 = tpu.vector_load %arg6[%get3A_300, %get3A_301, %get3A_302] {strides = array<i32>} : memref<4x16x512xf32, #tpu.memory_space<vmem>>, vector<1x1x16xf32>,
        %get3A_304 = vector.shape_cast %get3A_303 : vector<1x1x16xf32> to vector<16xf32>
        %select_n3A_305 = arith.select %eq3A_290, %get3A_304, %broadcast_in_dim3A_3 : vector<16xi1>, vector<16xf32>
        %add3A_306 = arith.addf %add3A_263, %select_n3A_305 : vector<16xf32>
        %get3A_307 = arith.constant 2 : i32
        %get3A_308 = arith.index_cast %get3A_307 : i32 to index
        %get3A_309 = arith.index_cast %scan3A_222 : i32 to index
        %get3A_310 = arith.index_cast %add3A_283 : i32 to index
        %get3A_311 = tpu.vector_load %arg6[%get3A_308, %get3A_309, %get3A_310] {strides = array<i32>} : memref<4x16x512xf32, #tpu.memory_space<vmem>>, vector<1x1x16xf32>,
        %get3A_312 = vector.shape_cast %get3A_311 : vector<1x1x16xf32> to vector<16xf32>
        %select_n3A_313 = arith.select %eq3A_290, %get3A_312, %broadcast_in_dim3A_3 : vector<16xi1>, vector<16xf32>
        %add3A_314 = arith.addf %add3A_271, %select_n3A_313 : vector<16xf32>
        %get3A_315 = arith.constant 3 : i32
        %get3A_316 = arith.index_cast %get3A_315 : i32 to index
        %get3A_317 = arith.index_cast %scan3A_222 : i32 to index
        %get3A_318 = arith.index_cast %add3A_283 : i32 to index
        %get3A_319 = tpu.vector_load %arg6[%get3A_316, %get3A_317, %get3A_318] {strides = array<i32>} : memref<4x16x512xf32, #tpu.memory_space<vmem>>, vector<1x1x16xf32>,
        %get3A_320 = vector.shape_cast %get3A_319 : vector<1x1x16xf32> to vector<16xf32>
        %select_n3A_321 = arith.select %eq3A_290, %get3A_320, %broadcast_in_dim3A_3 : vector<16xi1>, vector<16xf32>
        %add3A_322 = arith.addf %add3A_279, %select_n3A_321 : vector<16xf32>
        %select_n3A_323 = arith.select %eq3A_290, %broadcast_in_dim3A_5, %broadcast_in_dim3A_3 : vector<16xi1>, vector<16xf32>
        %add3A_324 = arith.addf %add3A_281, %select_n3A_323 : vector<16xf32>
        %add3A_325 = arith.constant 32 : i32
        %add3A_326 = arith.addi %mul3A_241, %add3A_325 : i32
        %get3A_327 = arith.index_cast %scan3A_222 : i32 to index
        %get3A_328 = arith.index_cast %add3A_326 : i32 to index
        %get3A_329 = tpu.vector_load %arg5[%get3A_327, %get3A_328] {strides = array<i32>} : memref<16x512xi32, #tpu.memory_space<vmem>>, vector<1x16xi32>,
        %get3A_330 = vector.shape_cast %get3A_329 : vector<1x16xi32> to vector<16xi32>
        %eq3A_331 = arith.constant 1 : i32
        %eq3A_332 = vector.broadcast %eq3A_331 : i32 to vector<16xi32>
        %eq3A_333 = arith.cmpi eq, %get3A_330, %eq3A_332 : vector<16xi32>
        %get3A_334 = arith.constant 0 : i32
        %get3A_335 = arith.index_cast %get3A_334 : i32 to index
        %get3A_336 = arith.index_cast %scan3A_222 : i32 to index
        %get3A_337 = arith.index_cast %add3A_326 : i32 to index
        %get3A_338 = tpu.vector_load %arg6[%get3A_335, %get3A_336, %get3A_337] {strides = array<i32>} : memref<4x16x512xf32, #tpu.memory_space<vmem>>, vector<1x1x16xf32>,
        %get3A_339 = vector.shape_cast %get3A_338 : vector<1x1x16xf32> to vector<16xf32>
        %select_n3A_340 = arith.select %eq3A_333, %get3A_339, %broadcast_in_dim3A_3 : vector<16xi1>, vector<16xf32>
        %add3A_341 = arith.addf %add3A_298, %select_n3A_340 : vector<16xf32>
        %get3A_342 = arith.constant 1 : i32
        %get3A_343 = arith.index_cast %get3A_342 : i32 to index
        %get3A_344 = arith.index_cast %scan3A_222 : i32 to index
        %get3A_345 = arith.index_cast %add3A_326 : i32 to index
        %get3A_346 = tpu.vector_load %arg6[%get3A_343, %get3A_344, %get3A_345] {strides = array<i32>} : memref<4x16x512xf32, #tpu.memory_space<vmem>>, vector<1x1x16xf32>,
        %get3A_347 = vector.shape_cast %get3A_346 : vector<1x1x16xf32> to vector<16xf32>
        %select_n3A_348 = arith.select %eq3A_333, %get3A_347, %broadcast_in_dim3A_3 : vector<16xi1>, vector<16xf32>
        %add3A_349 = arith.addf %add3A_306, %select_n3A_348 : vector<16xf32>
        %get3A_350 = arith.constant 2 : i32
        %get3A_351 = arith.index_cast %get3A_350 : i32 to index
        %get3A_352 = arith.index_cast %scan3A_222 : i32 to index
        %get3A_353 = arith.index_cast %add3A_326 : i32 to index
        %get3A_354 = tpu.vector_load %arg6[%get3A_351, %get3A_352, %get3A_353] {strides = array<i32>} : memref<4x16x512xf32, #tpu.memory_space<vmem>>, vector<1x1x16xf32>,
        %get3A_355 = vector.shape_cast %get3A_354 : vector<1x1x16xf32> to vector<16xf32>
        %select_n3A_356 = arith.select %eq3A_333, %get3A_355, %broadcast_in_dim3A_3 : vector<16xi1>, vector<16xf32>
        %add3A_357 = arith.addf %add3A_314, %select_n3A_356 : vector<16xf32>
        %get3A_358 = arith.constant 3 : i32
        %get3A_359 = arith.index_cast %get3A_358 : i32 to index
        %get3A_360 = arith.index_cast %scan3A_222 : i32 to index
        %get3A_361 = arith.index_cast %add3A_326 : i32 to index
        %get3A_362 = tpu.vector_load %arg6[%get3A_359, %get3A_360, %get3A_361] {strides = array<i32>} : memref<4x16x512xf32, #tpu.memory_space<vmem>>, vector<1x1x16xf32>,
        %get3A_363 = vector.shape_cast %get3A_362 : vector<1x1x16xf32> to vector<16xf32>
        %select_n3A_364 = arith.select %eq3A_333, %get3A_363, %broadcast_in_dim3A_3 : vector<16xi1>, vector<16xf32>
        %add3A_365 = arith.addf %add3A_322, %select_n3A_364 : vector<16xf32>
        %select_n3A_366 = arith.select %eq3A_333, %broadcast_in_dim3A_5, %broadcast_in_dim3A_3 : vector<16xi1>, vector<16xf32>
        %add3A_367 = arith.addf %add3A_324, %select_n3A_366 : vector<16xf32>
        %add3A_368 = arith.constant 48 : i32
        %add3A_369 = arith.addi %mul3A_241, %add3A_368 : i32
        %get3A_370 = arith.index_cast %scan3A_222 : i32 to index
        %get3A_371 = arith.index_cast %add3A_369 : i32 to index
        %get3A_372 = tpu.vector_load %arg5[%get3A_370, %get3A_371] {strides = array<i32>} : memref<16x512xi32, #tpu.memory_space<vmem>>, vector<1x16xi32>,
        %get3A_373 = vector.shape_cast %get3A_372 : vector<1x16xi32> to vector<16xi32>
        %eq3A_374 = arith.constant 1 : i32
        %eq3A_375 = vector.broadcast %eq3A_374 : i32 to vector<16xi32>
        %eq3A_376 = arith.cmpi eq, %get3A_373, %eq3A_375 : vector<16xi32>
        %get3A_377 = arith.constant 0 : i32
        %get3A_378 = arith.index_cast %get3A_377 : i32 to index
        %get3A_379 = arith.index_cast %scan3A_222 : i32 to index
        %get3A_380 = arith.index_cast %add3A_369 : i32 to index
        %get3A_381 = tpu.vector_load %arg6[%get3A_378, %get3A_379, %get3A_380] {strides = array<i32>} : memref<4x16x512xf32, #tpu.memory_space<vmem>>, vector<1x1x16xf32>,
        %get3A_382 = vector.shape_cast %get3A_381 : vector<1x1x16xf32> to vector<16xf32>
        %select_n3A_383 = arith.select %eq3A_376, %get3A_382, %broadcast_in_dim3A_3 : vector<16xi1>, vector<16xf32>
        %add3A_384 = arith.addf %add3A_341, %select_n3A_383 : vector<16xf32>
        %get3A_385 = arith.constant 1 : i32
        %get3A_386 = arith.index_cast %get3A_385 : i32 to index
        %get3A_387 = arith.index_cast %scan3A_222 : i32 to index
        %get3A_388 = arith.index_cast %add3A_369 : i32 to index
        %get3A_389 = tpu.vector_load %arg6[%get3A_386, %get3A_387, %get3A_388] {strides = array<i32>} : memref<4x16x512xf32, #tpu.memory_space<vmem>>, vector<1x1x16xf32>,
        %get3A_390 = vector.shape_cast %get3A_389 : vector<1x1x16xf32> to vector<16xf32>
        %select_n3A_391 = arith.select %eq3A_376, %get3A_390, %broadcast_in_dim3A_3 : vector<16xi1>, vector<16xf32>
        %add3A_392 = arith.addf %add3A_349, %select_n3A_391 : vector<16xf32>
        %get3A_393 = arith.constant 2 : i32
        %get3A_394 = arith.index_cast %get3A_393 : i32 to index
        %get3A_395 = arith.index_cast %scan3A_222 : i32 to index
        %get3A_396 = arith.index_cast %add3A_369 : i32 to index
        %get3A_397 = tpu.vector_load %arg6[%get3A_394, %get3A_395, %get3A_396] {strides = array<i32>} : memref<4x16x512xf32, #tpu.memory_space<vmem>>, vector<1x1x16xf32>,
        %get3A_398 = vector.shape_cast %get3A_397 : vector<1x1x16xf32> to vector<16xf32>
        %select_n3A_399 = arith.select %eq3A_376, %get3A_398, %broadcast_in_dim3A_3 : vector<16xi1>, vector<16xf32>
        %add3A_400 = arith.addf %add3A_357, %select_n3A_399 : vector<16xf32>
        %get3A_401 = arith.constant 3 : i32
        %get3A_402 = arith.index_cast %get3A_401 : i32 to index
        %get3A_403 = arith.index_cast %scan3A_222 : i32 to index
        %get3A_404 = arith.index_cast %add3A_369 : i32 to index
        %get3A_405 = tpu.vector_load %arg6[%get3A_402, %get3A_403, %get3A_404] {strides = array<i32>} : memref<4x16x512xf32, #tpu.memory_space<vmem>>, vector<1x1x16xf32>,
        %get3A_406 = vector.shape_cast %get3A_405 : vector<1x1x16xf32> to vector<16xf32>
        %select_n3A_407 = arith.select %eq3A_376, %get3A_406, %broadcast_in_dim3A_3 : vector<16xi1>, vector<16xf32>
        %add3A_408 = arith.addf %add3A_365, %select_n3A_407 : vector<16xf32>
        %select_n3A_409 = arith.select %eq3A_376, %broadcast_in_dim3A_5, %broadcast_in_dim3A_3 : vector<16xi1>, vector<16xf32>
        %add3A_410 = arith.addf %add3A_367, %select_n3A_409 : vector<16xf32>
        scf.yield %add3A_384, %add3A_392, %add3A_400, %add3A_408, %add3A_410 : vector<16xf32>, vector<16xf32>, vector<16xf32>, vector<16xf32>, vector<16xf32>
      }
      %scan3A_233 = arith.constant 8 : i32
      scf.yield %scan3A_232#0, %scan3A_232#1, %scan3A_232#2, %scan3A_232#3, %scan3A_232#4 : vector<16xf32>, vector<16xf32>, vector<16xf32>, vector<16xf32>, vector<16xf32>
    }
    %scan3A_192 = arith.constant 16 : i32
    %swap3A = arith.constant 0 : i32
    %swap3A_193 = arith.index_cast %swap3A : i32 to index
    %swap3A_194 = arith.constant 0 : index
    %swap3A_195 = tpu.vector_load %arg9[%swap3A_193, %swap3A_194] {strides = array<i32>} : memref<5x16xf32, #tpu.memory_space<vmem>>, vector<1x16xf32>,
    %swap3A_196 = vector.shape_cast %swap3A_195 : vector<1x16xf32> to vector<16xf32>
    %swap3A_197 = vector.shape_cast %scan3A_191#0 : vector<16xf32> to vector<1x16xf32>
    tpu.vector_store %arg9[%swap3A_193, %swap3A_194], %swap3A_197 {strides = array<i32>} : memref<5x16xf32, #tpu.memory_space<vmem>>, vector<1x16xf32>,
    %swap3A_198 = arith.constant 1 : i32
    %swap3A_199 = arith.index_cast %swap3A_198 : i32 to index
    %swap3A_200 = arith.constant 0 : index
    %swap3A_201 = tpu.vector_load %arg9[%swap3A_199, %swap3A_200] {strides = array<i32>} : memref<5x16xf32, #tpu.memory_space<vmem>>, vector<1x16xf32>,
    %swap3A_202 = vector.shape_cast %swap3A_201 : vector<1x16xf32> to vector<16xf32>
    %swap3A_203 = vector.shape_cast %scan3A_191#1 : vector<16xf32> to vector<1x16xf32>
    tpu.vector_store %arg9[%swap3A_199, %swap3A_200], %swap3A_203 {strides = array<i32>} : memref<5x16xf32, #tpu.memory_space<vmem>>, vector<1x16xf32>,
    %swap3A_204 = arith.constant 2 : i32
    %swap3A_205 = arith.index_cast %swap3A_204 : i32 to index
    %swap3A_206 = arith.constant 0 : index
    %swap3A_207 = tpu.vector_load %arg9[%swap3A_205, %swap3A_206] {strides = array<i32>} : memref<5x16xf32, #tpu.memory_space<vmem>>, vector<1x16xf32>,
    %swap3A_208 = vector.shape_cast %swap3A_207 : vector<1x16xf32> to vector<16xf32>
    %swap3A_209 = vector.shape_cast %scan3A_191#2 : vector<16xf32> to vector<1x16xf32>
    tpu.vector_store %arg9[%swap3A_205, %swap3A_206], %swap3A_209 {strides = array<i32>} : memref<5x16xf32, #tpu.memory_space<vmem>>, vector<1x16xf32>,
    %swap3A_210 = arith.constant 3 : i32
    %swap3A_211 = arith.index_cast %swap3A_210 : i32 to index
    %swap3A_212 = arith.constant 0 : index
    %swap3A_213 = tpu.vector_load %arg9[%swap3A_211, %swap3A_212] {strides = array<i32>} : memref<5x16xf32, #tpu.memory_space<vmem>>, vector<1x16xf32>,
    %swap3A_214 = vector.shape_cast %swap3A_213 : vector<1x16xf32> to vector<16xf32>
    %swap3A_215 = vector.shape_cast %scan3A_191#3 : vector<16xf32> to vector<1x16xf32>
    tpu.vector_store %arg9[%swap3A_211, %swap3A_212], %swap3A_215 {strides = array<i32>} : memref<5x16xf32, #tpu.memory_space<vmem>>, vector<1x16xf32>,
    %swap3A_216 = arith.constant 4 : i32
    %swap3A_217 = arith.index_cast %swap3A_216 : i32 to index
    %swap3A_218 = arith.constant 0 : index
    %swap3A_219 = tpu.vector_load %arg9[%swap3A_217, %swap3A_218] {strides = array<i32>} : memref<5x16xf32, #tpu.memory_space<vmem>>, vector<1x16xf32>,
    %swap3A_220 = vector.shape_cast %swap3A_219 : vector<1x16xf32> to vector<16xf32>
    %swap3A_221 = vector.shape_cast %scan3A_191#4 : vector<16xf32> to vector<1x16xf32>
    tpu.vector_store %arg9[%swap3A_217, %swap3A_218], %swap3A_221 {strides = array<i32>} : memref<5x16xf32, #tpu.memory_space<vmem>>, vector<1x16xf32>,
    "tpu.region"() ({
      %run_scoped3A = tpu.sem_alloc : memref<!tpu.dma_semaphore, #tpu.memory_space<semaphore_mem>>
      %dma_start3A_222 = arith.constant 0 : i32
      %dma_start3A_223 = arith.constant 0 : i32
      %dma_start3A_224 = tpu.memref_slice %arg4[%add3A, %dma_start3A_222, %dma_start3A_223] : memref<32x5x16xf32, #tpu.memory_space<hbm>> -> memref<1x5x16xf32, #tpu.memory_space<hbm>>
      %dma_start3A_225 = tpu.memref_squeeze %dma_start3A_224 : memref<1x5x16xf32, #tpu.memory_space<hbm>> -> memref<5x16xf32, #tpu.memory_space<hbm>>
      %dma_start3A_226 = arith.constant 0 : i32
      %dma_start3A_227 = arith.constant 0 : i32
      %dma_start3A_228 = tpu.memref_slice %arg4[%add3A, %dma_start3A_226, %dma_start3A_227] : memref<32x5x16xf32, #tpu.memory_space<hbm>> -> memref<1x5x16xf32, #tpu.memory_space<hbm>>
      %dma_start3A_229 = tpu.memref_squeeze %dma_start3A_228 : memref<1x5x16xf32, #tpu.memory_space<hbm>> -> memref<5x16xf32, #tpu.memory_space<hbm>>
      tpu.enqueue_dma source(%arg9 : memref<5x16xf32, #tpu.memory_space<vmem>>) target(%dma_start3A_229 : memref<5x16xf32, #tpu.memory_space<hbm>>) target_semaphore(%run_scoped3A : memref<!tpu.dma_semaphore, #tpu.memory_space<semaphore_mem>>)
      %dma_wait3A_230 = arith.constant 0 : i32
      %dma_wait3A_231 = arith.constant 0 : i32
      %dma_wait3A_232 = tpu.memref_slice %arg4[%add3A, %dma_wait3A_230, %dma_wait3A_231] : memref<32x5x16xf32, #tpu.memory_space<hbm>> -> memref<1x5x16xf32, #tpu.memory_space<hbm>>
      %dma_wait3A_233 = tpu.memref_squeeze %dma_wait3A_232 : memref<1x5x16xf32, #tpu.memory_space<hbm>> -> memref<5x16xf32, #tpu.memory_space<hbm>>
      %dma_wait3A_234 = arith.constant 0 : i32
      %dma_wait3A_235 = arith.constant 0 : i32
      %dma_wait3A_236 = tpu.memref_slice %arg4[%add3A, %dma_wait3A_234, %dma_wait3A_235] : memref<32x5x16xf32, #tpu.memory_space<hbm>> -> memref<1x5x16xf32, #tpu.memory_space<hbm>>
      %dma_wait3A_237 = tpu.memref_squeeze %dma_wait3A_236 : memref<1x5x16xf32, #tpu.memory_space<hbm>> -> memref<5x16xf32, #tpu.memory_space<hbm>>
      tpu.wait_dma2 semaphore(%run_scoped3A : memref<!tpu.dma_semaphore, #tpu.memory_space<semaphore_mem>>) src(%arg9 : memref<5x16xf32, #tpu.memory_space<vmem>>) dst(%dma_wait3A_237 : memref<5x16xf32, #tpu.memory_space<hbm>>)
      tpu.yield
    }) : () -> ()
    return
  }
}

module attributes {stable_mosaic.version = 14 : i64} {
  func.func @body(%arg0: i32, %arg1: memref<1x1x512x512xi32, #tpu.memory_space<vmem>>, %arg2: memref<1x1x512x512xf32, #tpu.memory_space<vmem>>, %arg3: memref<1x1x512x512xf32, #tpu.memory_space<vmem>>, %arg4: memref<1x1x512x512xf32, #tpu.memory_space<vmem>>, %arg5: memref<1x1x512x512xf32, #tpu.memory_space<vmem>>, %arg6: memref<1x1x8xf32, #tpu.memory_space<smem>>, %arg7: memref<8xf32, #tpu.memory_space<smem>>) attributes {dimension_semantics = [#tpu.dimension_semantics<arbitrary>], iteration_bounds = array<i64: 8>, scalar_prefetch = 0 : i64, scratch_operands = 1 : i64, tpu.core_type = #tpu.core_type<tc>, window_params = [{transform_indices = @transform_0, window_bounds = array<i64: 1, 1, 512, 512>}, {transform_indices = @transform_1, window_bounds = array<i64: 1, 1, 512, 512>}, {transform_indices = @transform_2, window_bounds = array<i64: 1, 1, 512, 512>}, {transform_indices = @transform_3, window_bounds = array<i64: 1, 1, 512, 512>}, {transform_indices = @transform_4, window_bounds = array<i64: 1, 1, 512, 512>}, {transform_indices = @transform_5, window_bounds = array<i64: 1, 1, 8>}]} {
    %get3A = arith.constant 0 : index
    %get3A_0 = arith.constant 0 : index
    %get3A_1 = arith.constant 0 : index
    %get3A_2 = arith.constant 0 : index
    %get3A_3 = vector.load %arg1[%get3A, %get3A_0, %get3A_1, %get3A_2] : memref<1x1x512x512xi32, #tpu.memory_space<vmem>>, vector<1x1x512x512xi32>
    %get3A_4 = vector.shape_cast %get3A_3 : vector<1x1x512x512xi32> to vector<512x512xi32>
    %eq3A = arith.constant 1 : i32
    %eq3A_5 = vector.broadcast %eq3A : i32 to vector<512x512xi32>
    %eq3A_6 = arith.cmpi eq, %get3A_4, %eq3A_5 : vector<512x512xi32>
    %convert_element_type3A = arith.extui %eq3A_6 : vector<512x512xi1> to vector<512x512xi32>
    %convert_element_type3A_7 = arith.sitofp %convert_element_type3A : vector<512x512xi32> to vector<512x512xf32>
    %get3A_8 = arith.constant 0 : index
    %get3A_9 = arith.constant 0 : index
    %get3A_10 = arith.constant 0 : index
    %get3A_11 = arith.constant 0 : index
    %get3A_12 = vector.load %arg2[%get3A_8, %get3A_9, %get3A_10, %get3A_11] : memref<1x1x512x512xf32, #tpu.memory_space<vmem>>, vector<1x1x512x512xf32>
    %get3A_13 = vector.shape_cast %get3A_12 : vector<1x1x512x512xf32> to vector<512x512xf32>
    %mul3A = arith.mulf %get3A_13, %convert_element_type3A_7 : vector<512x512xf32>
    %reduce_sum3A = vector.shape_cast %mul3A : vector<512x512xf32> to vector<1x512x512xf32>
    %reduce_sum3A_14 = arith.constant dense<0.000000e+00> : vector<1xf32>
    %reduce_sum3A_15 = vector.multi_reduction <add>, %reduce_sum3A, %reduce_sum3A_14 [1, 2] : vector<1x512x512xf32> to vector<1xf32>
    %reduce_sum3A_16 = vector.shape_cast %reduce_sum3A_15 : vector<1xf32> to vector<1x1x1xf32>
    %reduce_sum3A_17 = vector.extract %reduce_sum3A_16[0, 0, 0] : f32 from vector<1x1x1xf32>
    %get3A_18 = arith.constant 0 : index
    %get3A_19 = arith.constant 0 : index
    %get3A_20 = arith.constant 0 : index
    %get3A_21 = arith.constant 0 : index
    %get3A_22 = vector.load %arg3[%get3A_18, %get3A_19, %get3A_20, %get3A_21] : memref<1x1x512x512xf32, #tpu.memory_space<vmem>>, vector<1x1x512x512xf32>
    %get3A_23 = vector.shape_cast %get3A_22 : vector<1x1x512x512xf32> to vector<512x512xf32>
    %mul3A_24 = arith.mulf %get3A_23, %convert_element_type3A_7 : vector<512x512xf32>
    %reduce_sum3A_25 = vector.shape_cast %mul3A_24 : vector<512x512xf32> to vector<1x512x512xf32>
    %reduce_sum3A_26 = arith.constant dense<0.000000e+00> : vector<1xf32>
    %reduce_sum3A_27 = vector.multi_reduction <add>, %reduce_sum3A_25, %reduce_sum3A_26 [1, 2] : vector<1x512x512xf32> to vector<1xf32>
    %reduce_sum3A_28 = vector.shape_cast %reduce_sum3A_27 : vector<1xf32> to vector<1x1x1xf32>
    %reduce_sum3A_29 = vector.extract %reduce_sum3A_28[0, 0, 0] : f32 from vector<1x1x1xf32>
    %get3A_30 = arith.constant 0 : index
    %get3A_31 = arith.constant 0 : index
    %get3A_32 = arith.constant 0 : index
    %get3A_33 = arith.constant 0 : index
    %get3A_34 = vector.load %arg4[%get3A_30, %get3A_31, %get3A_32, %get3A_33] : memref<1x1x512x512xf32, #tpu.memory_space<vmem>>, vector<1x1x512x512xf32>
    %get3A_35 = vector.shape_cast %get3A_34 : vector<1x1x512x512xf32> to vector<512x512xf32>
    %mul3A_36 = arith.mulf %get3A_35, %convert_element_type3A_7 : vector<512x512xf32>
    %reduce_sum3A_37 = vector.shape_cast %mul3A_36 : vector<512x512xf32> to vector<1x512x512xf32>
    %reduce_sum3A_38 = arith.constant dense<0.000000e+00> : vector<1xf32>
    %reduce_sum3A_39 = vector.multi_reduction <add>, %reduce_sum3A_37, %reduce_sum3A_38 [1, 2] : vector<1x512x512xf32> to vector<1xf32>
    %reduce_sum3A_40 = vector.shape_cast %reduce_sum3A_39 : vector<1xf32> to vector<1x1x1xf32>
    %reduce_sum3A_41 = vector.extract %reduce_sum3A_40[0, 0, 0] : f32 from vector<1x1x1xf32>
    %get3A_42 = arith.constant 0 : index
    %get3A_43 = arith.constant 0 : index
    %get3A_44 = arith.constant 0 : index
    %get3A_45 = arith.constant 0 : index
    %get3A_46 = vector.load %arg5[%get3A_42, %get3A_43, %get3A_44, %get3A_45] : memref<1x1x512x512xf32, #tpu.memory_space<vmem>>, vector<1x1x512x512xf32>
    %get3A_47 = vector.shape_cast %get3A_46 : vector<1x1x512x512xf32> to vector<512x512xf32>
    %mul3A_48 = arith.mulf %get3A_47, %convert_element_type3A_7 : vector<512x512xf32>
    %reduce_sum3A_49 = vector.shape_cast %mul3A_48 : vector<512x512xf32> to vector<1x512x512xf32>
    %reduce_sum3A_50 = arith.constant dense<0.000000e+00> : vector<1xf32>
    %reduce_sum3A_51 = vector.multi_reduction <add>, %reduce_sum3A_49, %reduce_sum3A_50 [1, 2] : vector<1x512x512xf32> to vector<1xf32>
    %reduce_sum3A_52 = vector.shape_cast %reduce_sum3A_51 : vector<1xf32> to vector<1x1x1xf32>
    %reduce_sum3A_53 = vector.extract %reduce_sum3A_52[0, 0, 0] : f32 from vector<1x1x1xf32>
    %reduce_sum3A_54 = vector.shape_cast %convert_element_type3A_7 : vector<512x512xf32> to vector<1x512x512xf32>
    %reduce_sum3A_55 = arith.constant dense<0.000000e+00> : vector<1xf32>
    %reduce_sum3A_56 = vector.multi_reduction <add>, %reduce_sum3A_54, %reduce_sum3A_55 [1, 2] : vector<1x512x512xf32> to vector<1xf32>
    %reduce_sum3A_57 = vector.shape_cast %reduce_sum3A_56 : vector<1xf32> to vector<1x1x1xf32>
    %reduce_sum3A_58 = vector.extract %reduce_sum3A_57[0, 0, 0] : f32 from vector<1x1x1xf32>
    %eq3A_59 = arith.constant 0 : i32
    %eq3A_60 = arith.cmpi eq, %arg0, %eq3A_59 : i32
    %convert_element_type3A_61 = arith.extui %eq3A_60 : i1 to i32
    %cond3A = arith.constant 0 : i32
    %cond3A_62 = arith.cmpi ne, %convert_element_type3A_61, %cond3A : i32
    scf.if %cond3A_62 {
      %swap3A = arith.constant 0 : index
      %swap3A_72 = memref.load %arg7[%swap3A] : memref<8xf32, #tpu.memory_space<smem>>
      memref.store %reduce_sum3A_17, %arg7[%swap3A] : memref<8xf32, #tpu.memory_space<smem>>
      %swap3A_73 = arith.constant 1 : index
      %swap3A_74 = memref.load %arg7[%swap3A_73] : memref<8xf32, #tpu.memory_space<smem>>
      memref.store %reduce_sum3A_29, %arg7[%swap3A_73] : memref<8xf32, #tpu.memory_space<smem>>
      %swap3A_75 = arith.constant 2 : index
      %swap3A_76 = memref.load %arg7[%swap3A_75] : memref<8xf32, #tpu.memory_space<smem>>
      memref.store %reduce_sum3A_41, %arg7[%swap3A_75] : memref<8xf32, #tpu.memory_space<smem>>
      %swap3A_77 = arith.constant 3 : index
      %swap3A_78 = memref.load %arg7[%swap3A_77] : memref<8xf32, #tpu.memory_space<smem>>
      memref.store %reduce_sum3A_53, %arg7[%swap3A_77] : memref<8xf32, #tpu.memory_space<smem>>
      %swap3A_79 = arith.constant 4 : index
      %swap3A_80 = memref.load %arg7[%swap3A_79] : memref<8xf32, #tpu.memory_space<smem>>
      memref.store %reduce_sum3A_58, %arg7[%swap3A_79] : memref<8xf32, #tpu.memory_space<smem>>
    } else {
    }
    %ne3A = arith.constant 0 : i32
    %ne3A_63 = arith.cmpi ne, %arg0, %ne3A : i32
    %convert_element_type3A_64 = arith.extui %ne3A_63 : i1 to i32
    %cond3A_65 = arith.constant 0 : i32
    %cond3A_66 = arith.cmpi ne, %convert_element_type3A_64, %cond3A_65 : i32
    scf.if %cond3A_66 {
      %get3A_72 = arith.constant 0 : index
      %get3A_73 = memref.load %arg7[%get3A_72] : memref<8xf32, #tpu.memory_space<smem>>
      %add3A = arith.addf %get3A_73, %reduce_sum3A_17 : f32
      %swap3A = arith.constant 0 : index
      %swap3A_74 = memref.load %arg7[%swap3A] : memref<8xf32, #tpu.memory_space<smem>>
      memref.store %add3A, %arg7[%swap3A] : memref<8xf32, #tpu.memory_space<smem>>
      %get3A_75 = arith.constant 1 : index
      %get3A_76 = memref.load %arg7[%get3A_75] : memref<8xf32, #tpu.memory_space<smem>>
      %add3A_77 = arith.addf %get3A_76, %reduce_sum3A_29 : f32
      %swap3A_78 = arith.constant 1 : index
      %swap3A_79 = memref.load %arg7[%swap3A_78] : memref<8xf32, #tpu.memory_space<smem>>
      memref.store %add3A_77, %arg7[%swap3A_78] : memref<8xf32, #tpu.memory_space<smem>>
      %get3A_80 = arith.constant 2 : index
      %get3A_81 = memref.load %arg7[%get3A_80] : memref<8xf32, #tpu.memory_space<smem>>
      %add3A_82 = arith.addf %get3A_81, %reduce_sum3A_41 : f32
      %swap3A_83 = arith.constant 2 : index
      %swap3A_84 = memref.load %arg7[%swap3A_83] : memref<8xf32, #tpu.memory_space<smem>>
      memref.store %add3A_82, %arg7[%swap3A_83] : memref<8xf32, #tpu.memory_space<smem>>
      %get3A_85 = arith.constant 3 : index
      %get3A_86 = memref.load %arg7[%get3A_85] : memref<8xf32, #tpu.memory_space<smem>>
      %add3A_87 = arith.addf %get3A_86, %reduce_sum3A_53 : f32
      %swap3A_88 = arith.constant 3 : index
      %swap3A_89 = memref.load %arg7[%swap3A_88] : memref<8xf32, #tpu.memory_space<smem>>
      memref.store %add3A_87, %arg7[%swap3A_88] : memref<8xf32, #tpu.memory_space<smem>>
      %get3A_90 = arith.constant 4 : index
      %get3A_91 = memref.load %arg7[%get3A_90] : memref<8xf32, #tpu.memory_space<smem>>
      %add3A_92 = arith.addf %get3A_91, %reduce_sum3A_58 : f32
      %swap3A_93 = arith.constant 4 : index
      %swap3A_94 = memref.load %arg7[%swap3A_93] : memref<8xf32, #tpu.memory_space<smem>>
      memref.store %add3A_92, %arg7[%swap3A_93] : memref<8xf32, #tpu.memory_space<smem>>
    } else {
    }
    %eq3A_67 = arith.constant 7 : i32
    %eq3A_68 = arith.cmpi eq, %arg0, %eq3A_67 : i32
    %convert_element_type3A_69 = arith.extui %eq3A_68 : i1 to i32
    %cond3A_70 = arith.constant 0 : i32
    %cond3A_71 = arith.cmpi ne, %convert_element_type3A_69, %cond3A_70 : i32
    scf.if %cond3A_71 {
      %get3A_72 = arith.constant 0 : index
      %get3A_73 = memref.load %arg7[%get3A_72] : memref<8xf32, #tpu.memory_space<smem>>
      %swap3A = arith.constant 0 : index
      %swap3A_74 = arith.constant 0 : index
      %swap3A_75 = arith.constant 0 : index
      %swap3A_76 = memref.load %arg6[%swap3A, %swap3A_74, %swap3A_75] : memref<1x1x8xf32, #tpu.memory_space<smem>>
      memref.store %get3A_73, %arg6[%swap3A, %swap3A_74, %swap3A_75] : memref<1x1x8xf32, #tpu.memory_space<smem>>
      %get3A_77 = arith.constant 1 : index
      %get3A_78 = memref.load %arg7[%get3A_77] : memref<8xf32, #tpu.memory_space<smem>>
      %swap3A_79 = arith.constant 0 : index
      %swap3A_80 = arith.constant 0 : index
      %swap3A_81 = arith.constant 1 : index
      %swap3A_82 = memref.load %arg6[%swap3A_79, %swap3A_80, %swap3A_81] : memref<1x1x8xf32, #tpu.memory_space<smem>>
      memref.store %get3A_78, %arg6[%swap3A_79, %swap3A_80, %swap3A_81] : memref<1x1x8xf32, #tpu.memory_space<smem>>
      %get3A_83 = arith.constant 2 : index
      %get3A_84 = memref.load %arg7[%get3A_83] : memref<8xf32, #tpu.memory_space<smem>>
      %swap3A_85 = arith.constant 0 : index
      %swap3A_86 = arith.constant 0 : index
      %swap3A_87 = arith.constant 2 : index
      %swap3A_88 = memref.load %arg6[%swap3A_85, %swap3A_86, %swap3A_87] : memref<1x1x8xf32, #tpu.memory_space<smem>>
      memref.store %get3A_84, %arg6[%swap3A_85, %swap3A_86, %swap3A_87] : memref<1x1x8xf32, #tpu.memory_space<smem>>
      %get3A_89 = arith.constant 3 : index
      %get3A_90 = memref.load %arg7[%get3A_89] : memref<8xf32, #tpu.memory_space<smem>>
      %swap3A_91 = arith.constant 0 : index
      %swap3A_92 = arith.constant 0 : index
      %swap3A_93 = arith.constant 3 : index
      %swap3A_94 = memref.load %arg6[%swap3A_91, %swap3A_92, %swap3A_93] : memref<1x1x8xf32, #tpu.memory_space<smem>>
      memref.store %get3A_90, %arg6[%swap3A_91, %swap3A_92, %swap3A_93] : memref<1x1x8xf32, #tpu.memory_space<smem>>
      %get3A_95 = arith.constant 4 : index
      %get3A_96 = memref.load %arg7[%get3A_95] : memref<8xf32, #tpu.memory_space<smem>>
      %swap3A_97 = arith.constant 0 : index
      %swap3A_98 = arith.constant 0 : index
      %swap3A_99 = arith.constant 4 : index
      %swap3A_100 = memref.load %arg6[%swap3A_97, %swap3A_98, %swap3A_99] : memref<1x1x8xf32, #tpu.memory_space<smem>>
      memref.store %get3A_96, %arg6[%swap3A_97, %swap3A_98, %swap3A_99] : memref<1x1x8xf32, #tpu.memory_space<smem>>
    } else {
    }
    return
  }
  func.func @transform_0(%arg0: i32) -> (i32, i32, i32, i32) {
    %add3A = arith.constant 3 : i32
    %add3A_0 = arith.addi %arg0, %add3A : i32
    %c0_i32 = arith.constant 0 : i32
    %c0_i32_1 = arith.constant 0 : i32
    %c0_i32_2 = arith.constant 0 : i32
    %c0_i32_3 = arith.constant 0 : i32
    return %add3A_0, %c0_i32, %c0_i32_1, %c0_i32_2 : i32, i32, i32, i32
  }
  func.func @transform_1(%arg0: i32) -> (i32, i32, i32, i32) {
    %add3A = arith.constant 3 : i32
    %add3A_0 = arith.addi %arg0, %add3A : i32
    %c1_i32 = arith.constant 1 : i32
    %c0_i32 = arith.constant 0 : i32
    %c0_i32_1 = arith.constant 0 : i32
    %c0_i32_2 = arith.constant 0 : i32
    return %add3A_0, %c1_i32, %c0_i32, %c0_i32_1 : i32, i32, i32, i32
  }
  func.func @transform_2(%arg0: i32) -> (i32, i32, i32, i32) {
    %add3A = arith.constant 3 : i32
    %add3A_0 = arith.addi %arg0, %add3A : i32
    %c2_i32 = arith.constant 2 : i32
    %c0_i32 = arith.constant 0 : i32
    %c0_i32_1 = arith.constant 0 : i32
    %c0_i32_2 = arith.constant 0 : i32
    return %add3A_0, %c2_i32, %c0_i32, %c0_i32_1 : i32, i32, i32, i32
  }
  func.func @transform_3(%arg0: i32) -> (i32, i32, i32, i32) {
    %add3A = arith.constant 3 : i32
    %add3A_0 = arith.addi %arg0, %add3A : i32
    %c3_i32 = arith.constant 3 : i32
    %c0_i32 = arith.constant 0 : i32
    %c0_i32_1 = arith.constant 0 : i32
    %c0_i32_2 = arith.constant 0 : i32
    return %add3A_0, %c3_i32, %c0_i32, %c0_i32_1 : i32, i32, i32, i32
  }
  func.func @transform_4(%arg0: i32) -> (i32, i32, i32, i32) {
    %add3A = arith.constant 3 : i32
    %add3A_0 = arith.addi %arg0, %add3A : i32
    %c4_i32 = arith.constant 4 : i32
    %c0_i32 = arith.constant 0 : i32
    %c0_i32_1 = arith.constant 0 : i32
    %c0_i32_2 = arith.constant 0 : i32
    return %add3A_0, %c4_i32, %c0_i32, %c0_i32_1 : i32, i32, i32, i32
  }
  func.func @transform_5(%arg0: i32) -> (i32, i32, i32) {
    %c0_i32 = arith.constant 0 : i32
    %c0_i32_0 = arith.constant 0 : i32
    %c0_i32_1 = arith.constant 0 : i32
    %c0_i32_2 = arith.constant 0 : i32
    return %c0_i32, %c0_i32_0, %c0_i32_1 : i32, i32, i32
  }
}

module attributes {stable_mosaic.version = 14 : i64} {
  func.func @body(%arg0: i32, %arg1: memref<1x1x512x512xi32, #tpu.memory_space<vmem>>, %arg2: memref<1x1x512x512xf32, #tpu.memory_space<vmem>>, %arg3: memref<1x1x512x512xf32, #tpu.memory_space<vmem>>, %arg4: memref<1x1x512x512xf32, #tpu.memory_space<vmem>>, %arg5: memref<1x1x512x512xf32, #tpu.memory_space<vmem>>, %arg6: memref<1x1x8xf32, #tpu.memory_space<smem>>, %arg7: memref<8xf32, #tpu.memory_space<smem>>) attributes {dimension_semantics = [#tpu.dimension_semantics<arbitrary>], iteration_bounds = array<i64: 3>, scalar_prefetch = 0 : i64, scratch_operands = 1 : i64, tpu.core_type = #tpu.core_type<tc>, window_params = [{transform_indices = @transform_0, window_bounds = array<i64: 1, 1, 512, 512>}, {transform_indices = @transform_1, window_bounds = array<i64: 1, 1, 512, 512>}, {transform_indices = @transform_2, window_bounds = array<i64: 1, 1, 512, 512>}, {transform_indices = @transform_3, window_bounds = array<i64: 1, 1, 512, 512>}, {transform_indices = @transform_4, window_bounds = array<i64: 1, 1, 512, 512>}, {transform_indices = @transform_5, window_bounds = array<i64: 1, 1, 8>}]} {
    %get3A = arith.constant 0 : index
    %get3A_0 = arith.constant 0 : index
    %get3A_1 = arith.constant 0 : index
    %get3A_2 = arith.constant 0 : index
    %get3A_3 = vector.load %arg1[%get3A, %get3A_0, %get3A_1, %get3A_2] : memref<1x1x512x512xi32, #tpu.memory_space<vmem>>, vector<1x1x512x512xi32>
    %get3A_4 = vector.shape_cast %get3A_3 : vector<1x1x512x512xi32> to vector<512x512xi32>
    %eq3A = arith.constant 1 : i32
    %eq3A_5 = vector.broadcast %eq3A : i32 to vector<512x512xi32>
    %eq3A_6 = arith.cmpi eq, %get3A_4, %eq3A_5 : vector<512x512xi32>
    %convert_element_type3A = arith.extui %eq3A_6 : vector<512x512xi1> to vector<512x512xi32>
    %convert_element_type3A_7 = arith.sitofp %convert_element_type3A : vector<512x512xi32> to vector<512x512xf32>
    %get3A_8 = arith.constant 0 : index
    %get3A_9 = arith.constant 0 : index
    %get3A_10 = arith.constant 0 : index
    %get3A_11 = arith.constant 0 : index
    %get3A_12 = vector.load %arg2[%get3A_8, %get3A_9, %get3A_10, %get3A_11] : memref<1x1x512x512xf32, #tpu.memory_space<vmem>>, vector<1x1x512x512xf32>
    %get3A_13 = vector.shape_cast %get3A_12 : vector<1x1x512x512xf32> to vector<512x512xf32>
    %mul3A = arith.mulf %get3A_13, %convert_element_type3A_7 : vector<512x512xf32>
    %reduce_sum3A = vector.shape_cast %mul3A : vector<512x512xf32> to vector<1x512x512xf32>
    %reduce_sum3A_14 = arith.constant dense<0.000000e+00> : vector<1xf32>
    %reduce_sum3A_15 = vector.multi_reduction <add>, %reduce_sum3A, %reduce_sum3A_14 [1, 2] : vector<1x512x512xf32> to vector<1xf32>
    %reduce_sum3A_16 = vector.shape_cast %reduce_sum3A_15 : vector<1xf32> to vector<1x1x1xf32>
    %reduce_sum3A_17 = vector.extract %reduce_sum3A_16[0, 0, 0] : f32 from vector<1x1x1xf32>
    %get3A_18 = arith.constant 0 : index
    %get3A_19 = arith.constant 0 : index
    %get3A_20 = arith.constant 0 : index
    %get3A_21 = arith.constant 0 : index
    %get3A_22 = vector.load %arg3[%get3A_18, %get3A_19, %get3A_20, %get3A_21] : memref<1x1x512x512xf32, #tpu.memory_space<vmem>>, vector<1x1x512x512xf32>
    %get3A_23 = vector.shape_cast %get3A_22 : vector<1x1x512x512xf32> to vector<512x512xf32>
    %mul3A_24 = arith.mulf %get3A_23, %convert_element_type3A_7 : vector<512x512xf32>
    %reduce_sum3A_25 = vector.shape_cast %mul3A_24 : vector<512x512xf32> to vector<1x512x512xf32>
    %reduce_sum3A_26 = arith.constant dense<0.000000e+00> : vector<1xf32>
    %reduce_sum3A_27 = vector.multi_reduction <add>, %reduce_sum3A_25, %reduce_sum3A_26 [1, 2] : vector<1x512x512xf32> to vector<1xf32>
    %reduce_sum3A_28 = vector.shape_cast %reduce_sum3A_27 : vector<1xf32> to vector<1x1x1xf32>
    %reduce_sum3A_29 = vector.extract %reduce_sum3A_28[0, 0, 0] : f32 from vector<1x1x1xf32>
    %get3A_30 = arith.constant 0 : index
    %get3A_31 = arith.constant 0 : index
    %get3A_32 = arith.constant 0 : index
    %get3A_33 = arith.constant 0 : index
    %get3A_34 = vector.load %arg4[%get3A_30, %get3A_31, %get3A_32, %get3A_33] : memref<1x1x512x512xf32, #tpu.memory_space<vmem>>, vector<1x1x512x512xf32>
    %get3A_35 = vector.shape_cast %get3A_34 : vector<1x1x512x512xf32> to vector<512x512xf32>
    %mul3A_36 = arith.mulf %get3A_35, %convert_element_type3A_7 : vector<512x512xf32>
    %reduce_sum3A_37 = vector.shape_cast %mul3A_36 : vector<512x512xf32> to vector<1x512x512xf32>
    %reduce_sum3A_38 = arith.constant dense<0.000000e+00> : vector<1xf32>
    %reduce_sum3A_39 = vector.multi_reduction <add>, %reduce_sum3A_37, %reduce_sum3A_38 [1, 2] : vector<1x512x512xf32> to vector<1xf32>
    %reduce_sum3A_40 = vector.shape_cast %reduce_sum3A_39 : vector<1xf32> to vector<1x1x1xf32>
    %reduce_sum3A_41 = vector.extract %reduce_sum3A_40[0, 0, 0] : f32 from vector<1x1x1xf32>
    %get3A_42 = arith.constant 0 : index
    %get3A_43 = arith.constant 0 : index
    %get3A_44 = arith.constant 0 : index
    %get3A_45 = arith.constant 0 : index
    %get3A_46 = vector.load %arg5[%get3A_42, %get3A_43, %get3A_44, %get3A_45] : memref<1x1x512x512xf32, #tpu.memory_space<vmem>>, vector<1x1x512x512xf32>
    %get3A_47 = vector.shape_cast %get3A_46 : vector<1x1x512x512xf32> to vector<512x512xf32>
    %mul3A_48 = arith.mulf %get3A_47, %convert_element_type3A_7 : vector<512x512xf32>
    %reduce_sum3A_49 = vector.shape_cast %mul3A_48 : vector<512x512xf32> to vector<1x512x512xf32>
    %reduce_sum3A_50 = arith.constant dense<0.000000e+00> : vector<1xf32>
    %reduce_sum3A_51 = vector.multi_reduction <add>, %reduce_sum3A_49, %reduce_sum3A_50 [1, 2] : vector<1x512x512xf32> to vector<1xf32>
    %reduce_sum3A_52 = vector.shape_cast %reduce_sum3A_51 : vector<1xf32> to vector<1x1x1xf32>
    %reduce_sum3A_53 = vector.extract %reduce_sum3A_52[0, 0, 0] : f32 from vector<1x1x1xf32>
    %reduce_sum3A_54 = vector.shape_cast %convert_element_type3A_7 : vector<512x512xf32> to vector<1x512x512xf32>
    %reduce_sum3A_55 = arith.constant dense<0.000000e+00> : vector<1xf32>
    %reduce_sum3A_56 = vector.multi_reduction <add>, %reduce_sum3A_54, %reduce_sum3A_55 [1, 2] : vector<1x512x512xf32> to vector<1xf32>
    %reduce_sum3A_57 = vector.shape_cast %reduce_sum3A_56 : vector<1xf32> to vector<1x1x1xf32>
    %reduce_sum3A_58 = vector.extract %reduce_sum3A_57[0, 0, 0] : f32 from vector<1x1x1xf32>
    %eq3A_59 = arith.constant 0 : i32
    %eq3A_60 = arith.cmpi eq, %arg0, %eq3A_59 : i32
    %convert_element_type3A_61 = arith.extui %eq3A_60 : i1 to i32
    %cond3A = arith.constant 0 : i32
    %cond3A_62 = arith.cmpi ne, %convert_element_type3A_61, %cond3A : i32
    scf.if %cond3A_62 {
      %swap3A = arith.constant 0 : index
      %swap3A_72 = memref.load %arg7[%swap3A] : memref<8xf32, #tpu.memory_space<smem>>
      memref.store %reduce_sum3A_17, %arg7[%swap3A] : memref<8xf32, #tpu.memory_space<smem>>
      %swap3A_73 = arith.constant 1 : index
      %swap3A_74 = memref.load %arg7[%swap3A_73] : memref<8xf32, #tpu.memory_space<smem>>
      memref.store %reduce_sum3A_29, %arg7[%swap3A_73] : memref<8xf32, #tpu.memory_space<smem>>
      %swap3A_75 = arith.constant 2 : index
      %swap3A_76 = memref.load %arg7[%swap3A_75] : memref<8xf32, #tpu.memory_space<smem>>
      memref.store %reduce_sum3A_41, %arg7[%swap3A_75] : memref<8xf32, #tpu.memory_space<smem>>
      %swap3A_77 = arith.constant 3 : index
      %swap3A_78 = memref.load %arg7[%swap3A_77] : memref<8xf32, #tpu.memory_space<smem>>
      memref.store %reduce_sum3A_53, %arg7[%swap3A_77] : memref<8xf32, #tpu.memory_space<smem>>
      %swap3A_79 = arith.constant 4 : index
      %swap3A_80 = memref.load %arg7[%swap3A_79] : memref<8xf32, #tpu.memory_space<smem>>
      memref.store %reduce_sum3A_58, %arg7[%swap3A_79] : memref<8xf32, #tpu.memory_space<smem>>
    } else {
    }
    %ne3A = arith.constant 0 : i32
    %ne3A_63 = arith.cmpi ne, %arg0, %ne3A : i32
    %convert_element_type3A_64 = arith.extui %ne3A_63 : i1 to i32
    %cond3A_65 = arith.constant 0 : i32
    %cond3A_66 = arith.cmpi ne, %convert_element_type3A_64, %cond3A_65 : i32
    scf.if %cond3A_66 {
      %get3A_72 = arith.constant 0 : index
      %get3A_73 = memref.load %arg7[%get3A_72] : memref<8xf32, #tpu.memory_space<smem>>
      %add3A = arith.addf %get3A_73, %reduce_sum3A_17 : f32
      %swap3A = arith.constant 0 : index
      %swap3A_74 = memref.load %arg7[%swap3A] : memref<8xf32, #tpu.memory_space<smem>>
      memref.store %add3A, %arg7[%swap3A] : memref<8xf32, #tpu.memory_space<smem>>
      %get3A_75 = arith.constant 1 : index
      %get3A_76 = memref.load %arg7[%get3A_75] : memref<8xf32, #tpu.memory_space<smem>>
      %add3A_77 = arith.addf %get3A_76, %reduce_sum3A_29 : f32
      %swap3A_78 = arith.constant 1 : index
      %swap3A_79 = memref.load %arg7[%swap3A_78] : memref<8xf32, #tpu.memory_space<smem>>
      memref.store %add3A_77, %arg7[%swap3A_78] : memref<8xf32, #tpu.memory_space<smem>>
      %get3A_80 = arith.constant 2 : index
      %get3A_81 = memref.load %arg7[%get3A_80] : memref<8xf32, #tpu.memory_space<smem>>
      %add3A_82 = arith.addf %get3A_81, %reduce_sum3A_41 : f32
      %swap3A_83 = arith.constant 2 : index
      %swap3A_84 = memref.load %arg7[%swap3A_83] : memref<8xf32, #tpu.memory_space<smem>>
      memref.store %add3A_82, %arg7[%swap3A_83] : memref<8xf32, #tpu.memory_space<smem>>
      %get3A_85 = arith.constant 3 : index
      %get3A_86 = memref.load %arg7[%get3A_85] : memref<8xf32, #tpu.memory_space<smem>>
      %add3A_87 = arith.addf %get3A_86, %reduce_sum3A_53 : f32
      %swap3A_88 = arith.constant 3 : index
      %swap3A_89 = memref.load %arg7[%swap3A_88] : memref<8xf32, #tpu.memory_space<smem>>
      memref.store %add3A_87, %arg7[%swap3A_88] : memref<8xf32, #tpu.memory_space<smem>>
      %get3A_90 = arith.constant 4 : index
      %get3A_91 = memref.load %arg7[%get3A_90] : memref<8xf32, #tpu.memory_space<smem>>
      %add3A_92 = arith.addf %get3A_91, %reduce_sum3A_58 : f32
      %swap3A_93 = arith.constant 4 : index
      %swap3A_94 = memref.load %arg7[%swap3A_93] : memref<8xf32, #tpu.memory_space<smem>>
      memref.store %add3A_92, %arg7[%swap3A_93] : memref<8xf32, #tpu.memory_space<smem>>
    } else {
    }
    %eq3A_67 = arith.constant 2 : i32
    %eq3A_68 = arith.cmpi eq, %arg0, %eq3A_67 : i32
    %convert_element_type3A_69 = arith.extui %eq3A_68 : i1 to i32
    %cond3A_70 = arith.constant 0 : i32
    %cond3A_71 = arith.cmpi ne, %convert_element_type3A_69, %cond3A_70 : i32
    scf.if %cond3A_71 {
      %get3A_72 = arith.constant 0 : index
      %get3A_73 = memref.load %arg7[%get3A_72] : memref<8xf32, #tpu.memory_space<smem>>
      %swap3A = arith.constant 0 : index
      %swap3A_74 = arith.constant 0 : index
      %swap3A_75 = arith.constant 0 : index
      %swap3A_76 = memref.load %arg6[%swap3A, %swap3A_74, %swap3A_75] : memref<1x1x8xf32, #tpu.memory_space<smem>>
      memref.store %get3A_73, %arg6[%swap3A, %swap3A_74, %swap3A_75] : memref<1x1x8xf32, #tpu.memory_space<smem>>
      %get3A_77 = arith.constant 1 : index
      %get3A_78 = memref.load %arg7[%get3A_77] : memref<8xf32, #tpu.memory_space<smem>>
      %swap3A_79 = arith.constant 0 : index
      %swap3A_80 = arith.constant 0 : index
      %swap3A_81 = arith.constant 1 : index
      %swap3A_82 = memref.load %arg6[%swap3A_79, %swap3A_80, %swap3A_81] : memref<1x1x8xf32, #tpu.memory_space<smem>>
      memref.store %get3A_78, %arg6[%swap3A_79, %swap3A_80, %swap3A_81] : memref<1x1x8xf32, #tpu.memory_space<smem>>
      %get3A_83 = arith.constant 2 : index
      %get3A_84 = memref.load %arg7[%get3A_83] : memref<8xf32, #tpu.memory_space<smem>>
      %swap3A_85 = arith.constant 0 : index
      %swap3A_86 = arith.constant 0 : index
      %swap3A_87 = arith.constant 2 : index
      %swap3A_88 = memref.load %arg6[%swap3A_85, %swap3A_86, %swap3A_87] : memref<1x1x8xf32, #tpu.memory_space<smem>>
      memref.store %get3A_84, %arg6[%swap3A_85, %swap3A_86, %swap3A_87] : memref<1x1x8xf32, #tpu.memory_space<smem>>
      %get3A_89 = arith.constant 3 : index
      %get3A_90 = memref.load %arg7[%get3A_89] : memref<8xf32, #tpu.memory_space<smem>>
      %swap3A_91 = arith.constant 0 : index
      %swap3A_92 = arith.constant 0 : index
      %swap3A_93 = arith.constant 3 : index
      %swap3A_94 = memref.load %arg6[%swap3A_91, %swap3A_92, %swap3A_93] : memref<1x1x8xf32, #tpu.memory_space<smem>>
      memref.store %get3A_90, %arg6[%swap3A_91, %swap3A_92, %swap3A_93] : memref<1x1x8xf32, #tpu.memory_space<smem>>
      %get3A_95 = arith.constant 4 : index
      %get3A_96 = memref.load %arg7[%get3A_95] : memref<8xf32, #tpu.memory_space<smem>>
      %swap3A_97 = arith.constant 0 : index
      %swap3A_98 = arith.constant 0 : index
      %swap3A_99 = arith.constant 4 : index
      %swap3A_100 = memref.load %arg6[%swap3A_97, %swap3A_98, %swap3A_99] : memref<1x1x8xf32, #tpu.memory_space<smem>>
      memref.store %get3A_96, %arg6[%swap3A_97, %swap3A_98, %swap3A_99] : memref<1x1x8xf32, #tpu.memory_space<smem>>
    } else {
    }
    return
  }
  func.func @transform_0(%arg0: i32) -> (i32, i32, i32, i32) {
    %add3A = arith.constant 0 : i32
    %add3A_0 = arith.addi %arg0, %add3A : i32
    %c0_i32 = arith.constant 0 : i32
    %c0_i32_1 = arith.constant 0 : i32
    %c0_i32_2 = arith.constant 0 : i32
    %c0_i32_3 = arith.constant 0 : i32
    return %add3A_0, %c0_i32, %c0_i32_1, %c0_i32_2 : i32, i32, i32, i32
  }
  func.func @transform_1(%arg0: i32) -> (i32, i32, i32, i32) {
    %add3A = arith.constant 0 : i32
    %add3A_0 = arith.addi %arg0, %add3A : i32
    %c1_i32 = arith.constant 1 : i32
    %c0_i32 = arith.constant 0 : i32
    %c0_i32_1 = arith.constant 0 : i32
    %c0_i32_2 = arith.constant 0 : i32
    return %add3A_0, %c1_i32, %c0_i32, %c0_i32_1 : i32, i32, i32, i32
  }
  func.func @transform_2(%arg0: i32) -> (i32, i32, i32, i32) {
    %add3A = arith.constant 0 : i32
    %add3A_0 = arith.addi %arg0, %add3A : i32
    %c2_i32 = arith.constant 2 : i32
    %c0_i32 = arith.constant 0 : i32
    %c0_i32_1 = arith.constant 0 : i32
    %c0_i32_2 = arith.constant 0 : i32
    return %add3A_0, %c2_i32, %c0_i32, %c0_i32_1 : i32, i32, i32, i32
  }
  func.func @transform_3(%arg0: i32) -> (i32, i32, i32, i32) {
    %add3A = arith.constant 0 : i32
    %add3A_0 = arith.addi %arg0, %add3A : i32
    %c3_i32 = arith.constant 3 : i32
    %c0_i32 = arith.constant 0 : i32
    %c0_i32_1 = arith.constant 0 : i32
    %c0_i32_2 = arith.constant 0 : i32
    return %add3A_0, %c3_i32, %c0_i32, %c0_i32_1 : i32, i32, i32, i32
  }
  func.func @transform_4(%arg0: i32) -> (i32, i32, i32, i32) {
    %add3A = arith.constant 0 : i32
    %add3A_0 = arith.addi %arg0, %add3A : i32
    %c4_i32 = arith.constant 4 : i32
    %c0_i32 = arith.constant 0 : i32
    %c0_i32_1 = arith.constant 0 : i32
    %c0_i32_2 = arith.constant 0 : i32
    return %add3A_0, %c4_i32, %c0_i32, %c0_i32_1 : i32, i32, i32, i32
  }
  func.func @transform_5(%arg0: i32) -> (i32, i32, i32) {
    %c0_i32 = arith.constant 0 : i32
    %c0_i32_0 = arith.constant 0 : i32
    %c0_i32_1 = arith.constant 0 : i32
    %c0_i32_2 = arith.constant 0 : i32
    return %c0_i32, %c0_i32_0, %c0_i32_1 : i32, i32, i32
  }
}

</mosaic_0001>

<sc_bundles>
// kernel: kernel.5.cloned.1.call-start
scs
__scs_entry_jumppad:
0x0: {  	(pc) =	sbr.rel $0x88, $3  }
0x1: {  	(tag) =	ssettag $0x0;
	lr =	simm.s32 $0x1  }
0x2: {  	[smem:$0x3F9F] =	sst lr;
	_ =	strace $0xD0000000  }
0x3: {  	_ = 	snop  }
0x4: {  	_ = 	snop  }
0x5: {  	_ = 	snop  }
0x6: {  	_ = 	snop  }
0x7: {  	_ = 	snop  }
__scs_overlays_trampoline_lowered:
0x8: {  	[smem:$0x3FAE] =	sst s0  }
0x9: {  	[smem:$0x3FAF] =	sst s1  }
0xa: {  	[smem:$0x3FB0] =	sst s2  }
0xb: {  	[smem:$0x3FB1] =	sst s3  }
0xc: {  	[smem:$0x3FB2] =	sst s4  }
0xd: {  	[smem:$0x3FB3] =	sst s5  }
0xe: {  	[smem:$0x3FB4] =	sst s6  }
0xf: {  	[smem:$0x3FB5] =	sst s7  }
0x10: {  	[smem:$0x3FB6] =	sst s8  }
0x11: {  	[smem:$0x3FB7] =	sst s9;
	s0 =	simm.s32 @!p0 $0x0  }
0x12: {  	s1 =	sld [smem:$0x3F9D];
	s0 =	simm.s32 @p0 $0x1  }
0x13: {  	[smem:$0x3FB8] =	sst s0;
	s0 =	simm.s32 @!p1 $0x0  }
0x14: {  	s2 =	sld [smem:$0x3F9C];
	s0 =	simm.s32 @p1 $0x1  }
0x15: {  	[smem:$0x3FB9] =	sst s0;
	s0 =	simm.s32 @!p2 $0x0  }
0x16: {  	s3 =	sld [smem:$0x3FDB];
	s0 =	simm.s32 @p2 $0x1  }
0x17: {  	s4 =	simm.s32 $0x1BF5;
	[smem:$0x3FBB] =	sst s0  }
0x18: {  	s0 =	sld [smem:$0x3F9E];
	_ =	swait.ge [sflag:s4], $0x0  }
0x19: {  	s7 =	sld [smem:$0x3F9F]  }
0x1a: {  	s8 =	sadd.s32 $0xFFFFE003, lr  }
0x1b: {  	s9 =	sadd.s32 $0xFFFFFEF7, lr;
	s5 =	simm.s32 $0xFFFFFFFF;
	p2 =	slt.u32 s8, $0xFFFFF086  }
0x1c: {  	p1 =	slt.u32 s9, $0xF7A;
	s5 =	simm.s32 @!p2 $0x0  }
0x1d: {  	s5 =	simm.s32 @p1 $0x1;
	p0 =	seq.s32 s7, s2  }
0x1e: {  	s7 =	smul.u32 @!p0 $0xF7A, s2;
	p2 =	seq.s32 @!p0 s5, $0x0  }
0x1f: {  	s9 =	smul.u32 $0xF7A, s1;
	s8 =	simm.s32 @!p0 $0x1BF5;
	p2 =	por !p2, p0  }
0x20: {  	[sflag:s8] =	ssyncset.s32 @!p0 $0xFFFFF086;
	s6 =	sadd.s32 @!p0 s3, s7;
	s7 =	simm.s32 @!p0 $0x108  }
0x21: {  	s3 =	sadd.s32 s3, s9;
	s6 =	sadd.s32 @!p0 $0x88, s6;
	s7 =	simm.s32 @p2 $0x1082  }
0x22: {  	[simem:s7], [sflag:s8] =	dma.local @!p0 [hbm:s6], $0xF7A  }
0x23: {  	s9 =	sor.u32 $0xD0000000, s2;
	s6 =	simm.s32 $0x108;
	_ =	swait.ge @!p0 [sflag:s8], $0x0  }
0x24: {  	s3 =	sadd.s32 $0x88, s3;
	s6 =	simm.s32 @!p1 $0x1082;
	[sflag:s4] =	ssyncset.s32 $0xFFFFF086  }
0x25: {  	[simem:s6], [sflag:s4] =	dma.local [hbm:s3], $0xF7A  }
0x26: {  	[smem:$0x3F9F] =	sst s1;
	(tag) =	ssettag s2;
	_ =	strace s9  }
0x27: {  	s1 =	sld [smem:$0x3FAF]  }
0x28: {  	s2 =	sld [smem:$0x3FB0]  }
0x29: {  	s4 =	sld [smem:$0x3FB2]  }
0x2a: {  	p0 =	seq.s32 s5, $0x0;
	s5 =	sld [smem:$0x3FB3]  }
0x2b: {  	s6 =	sld [smem:$0x3FB4]  }
0x2c: {  	s7 =	sld [smem:$0x3FB5]  }
0x2d: {  	s3 =	simm.s32 $0x108;
	s8 =	sld [smem:$0x3FB6]  }
0x2e: {  	s3 =	simm.s32 @!p0 $0x1082;
	s9 =	sld [smem:$0x3FB7]  }
0x2f: {  	lr =	sadd.s32 s0, s3;
	s0 =	sld [smem:$0x3FAE]  }
0x30: {  	s3 =	sld [smem:$0x3FB1]  }
0x31: {  	[smem:$0x3FBA] =	sst s10  }
0x32: {  	s10 =	sld [smem:$0x3FB8];
	_ =	sdelay $0x3  }
0x33: {  	p0 =	seq.s32 s10, $0x1;
	s10 =	sld [smem:$0x3FBA];
	_ =	sdelay $0x3  }
0x34: {  	[smem:$0x3FBA] =	sst s10  }
0x35: {  	s10 =	sld [smem:$0x3FB9];
	_ =	sdelay $0x3  }
0x36: {  	p1 =	seq.s32 s10, $0x1;
	s10 =	sld [smem:$0x3FBA];
	_ =	sdelay $0x3  }
0x37: {  	[smem:$0x3FBA] =	sst s10  }
0x38: {  	s10 =	sld [smem:$0x3FBB]  }
0x39: {  	_ = 	snop;
	(pc) =	sbr.ind lr, $3  }
0x3a: {  	_ = 	snop  }
0x3b: {  	_ = 	snop  }
0x3c: {  	p2 =	seq.s32 s10, $0x1;
	s10 =	sld [smem:$0x3FBA]  }
0x3d: {  	_ =	shalt  }
0x3e: {  	_ =	shalt  }
0x3f: {  	_ =	shalt  }
0x40: {  	_ =	shalt  }
0x41: {  	_ =	shalt  }
0x42: {  	_ =	shalt  }
0x43: {  	_ =	shalt  }
0x44: {  	_ =	shalt  }
0x45: {  	_ =	shalt  }
0x46: {  	_ =	shalt  }
0x47: {  	_ =	shalt  }
0x48: {  	_ =	shalt  }
0x49: {  	_ =	shalt  }
0x4a: {  	_ =	shalt  }
0x4b: {  	_ =	shalt  }
0x4c: {  	_ =	shalt  }
0x4d: {  	_ =	shalt  }
0x4e: {  	_ =	shalt  }
0x4f: {  	_ =	shalt  }
0x50: {  	_ =	shalt  }
0x51: {  	_ =	shalt  }
0x52: {  	_ =	shalt  }
0x53: {  	_ =	shalt  }
0x54: {  	_ =	shalt  }
0x55: {  	_ =	shalt  }
0x56: {  	_ =	shalt  }
0x57: {  	_ =	shalt  }
0x58: {  	_ =	shalt  }
0x59: {  	_ =	shalt  }
0x5a: {  	_ =	shalt  }
0x5b: {  	_ =	shalt  }
0x5c: {  	_ =	shalt  }
0x5d: {  	_ =	shalt  }
0x5e: {  	_ =	shalt  }
0x5f: {  	_ =	shalt  }
0x60: {  	_ =	shalt  }
0x61: {  	_ =	shalt  }
0x62: {  	_ =	shalt  }
0x63: {  	_ =	shalt  }
0x64: {  	_ =	shalt  }
0x65: {  	_ =	shalt  }
0x66: {  	_ =	shalt  }
0x67: {  	_ =	shalt  }
0x68: {  	_ =	shalt  }
0x69: {  	_ =	shalt  }
0x6a: {  	_ =	shalt  }
0x6b: {  	_ =	shalt  }
0x6c: {  	_ =	shalt  }
0x6d: {  	_ =	shalt  }
0x6e: {  	_ =	shalt  }
0x6f: {  	_ =	shalt  }
0x70: {  	_ =	shalt  }
0x71: {  	_ =	shalt  }
0x72: {  	_ =	shalt  }
0x73: {  	_ =	shalt  }
0x74: {  	_ =	shalt  }
0x75: {  	_ =	shalt  }
0x76: {  	_ =	shalt  }
0x77: {  	_ =	shalt  }
0x78: {  	_ =	shalt  }
0x79: {  	_ =	shalt  }
0x7a: {  	_ =	shalt  }
0x7b: {  	_ =	shalt  }
0x7c: {  	_ =	shalt  }
0x7d: {  	_ =	shalt  }
0x7e: {  	_ =	shalt  }
0x7f: {  	_ =	shalt  }
0x80: {  	_ =	shalt  }
0x81: {  	_ =	shalt  }
0x82: {  	_ =	shalt  }
0x83: {  	_ =	shalt  }
0x84: {  	_ =	shalt  }
0x85: {  	_ =	shalt  }
0x86: {  	_ =	shalt  }
0x87: {  	_ =	shalt  }
.Lfunc_end0:
.L_simem_size_0:
called_computation_lowered:
.L_overlay_start_0:
0x88: {  	s2 =	sld [smem:$0x3FD9]  }
0x89: {  	s3 =	sld [smem:$0x3FFE];
	_ =	sdelay $0x1  }
0x8a: {  	s1 =	srdreg.scid  }
0x8b: {  	s0 =	sand.u32 $0x1, s1  }
0x8c: {  	s17 =	sshll.u32 s0, $0xA;
	s2 =	sadd.s32 s3, s2  }
0x8d: {  	s2 =	sadd.s32 s2, s17  }
0x8e: {  	[smem:$0x3FC6] =	sst s2  }
0x8f: {  	_ = 	snop  }
0x90: {  	s2 =	sld [smem:$0x3FC9]  }
0x91: {  	s18 =	sld [smem:$0x3FC8];
	(tm) =	ssettm $0x1  }
0x92: {  	s4 =	sld [smem:$0x3FFB];
	_ =	sdelay $0x3  }
0x93: {  	_ =	strace s4  }
0x94: {  	s4 =	sld [smem:$0x3FFC];
	_ =	sdelay $0x3  }
0x95: {  	_ =	strace s4  }
0x96: {  	s4 =	sld [smem:$0x3FFD];
	_ =	sdelay $0x3  }
0x97: {  	_ =	strace s4  }
0x98: {  	_ =	strace $0x8FFFFFFF  }
0x99: {  	s19 =	sld [smem:$0x3FDB];
	_ =	sdelay $0x1  }
0x9a: {  	s5 =	simm.s32 $_scs_section_size  }
0x9b: {  	s6 =	simm.s32 $_size__tile_overlayer_lowered;
	s7 =	simm.s32 $_tile_overlayer_lowered  }
0x9c: {  	s22 =	simm.s32 $0x1BFF;
	s21 =	sshll.u32 s7, $0x1;
	s4 =	sadd.s32 s5, s19  }
0x9d: {  	s8 =	simm.s32 $0x0;
	s20 =	sshll.u32 s6, $0x1;
	s6 =	sadd.s32 s21, s4  }
0x9e: {  	[timem:s8], [sflag:s22] =	dma.local [hbm:s6], s20  }
0x9f: {  	_ =	swait.ge [sflag:s22], s20  }
0xa0: {  	s5 =	ssub.s32 $0x0, s20;
	[sflag:s22] =	ssyncset.done $0x0  }
0xa1: {  	[sflag:s22] =	ssyncadd.s32 s5;
	_ =	sdelay $0x1  }
0xa2: {  	s23 =	simm.s32 $0x1B8B  }
0xa3: {  	_ =	swait.ge [sflag:s23], $0x1  }
0xa4: {  	[sflag:s23] =	ssyncset.done $0x0  }
0xa5: {  	s25 =	simm.s32 $0x1B8E;
	s24 =	sld [smem:$0x3FFE];
	[sflag:s23] =	ssyncadd.s32 $0xFFFFFFFF  }
0xa6: {  	s26 =	simm.s32 $execute0_lowered;
	[smem:$0x3FD2] =	sst s25  }
0xa7: {  	s6 =	sshll.u32 s26, $0x1;
	_ =	strace $0x80000046;
	[dreg:$0x1] =	wrdreg $0xFFFFFFFF  }
0xa8: {  	s28 =	simm.s32 $_size_execute0_lowered;
	s4 =	sadd.s32 s4, s6;
	[dreg:$0x0] =	wrdreg $0x0  }
0xa9: {  	s6 =	sshll.u32 s28, $0x1;
	[dreg:$0x2] =	wrdreg s4  }
0xaa: {  	[dreg:$0x3] =	wrdreg s6  }
0xab: {  	[dreg:$0x4] =	wrdreg $0xC0  }
0xac: {  	_ =	task [dreg:s8], $0x5FFFF  }
0xad: {  	[dreg:$0x1] =	wrdreg $0xFFFFFFFF  }
0xae: {  	[dreg:$0x0] =	wrdreg $0x60  }
0xaf: {  	[dreg:$0x2] =	wrdreg s2  }
0xb0: {  	[dreg:$0x3] =	wrdreg s18  }
0xb1: {  	[dreg:$0x4] =	wrdreg s24  }
0xb2: {  	[dreg:$0x5] =	wrdreg $0x9  }
0xb3: {  	_ =	task.clear_ibuf [dreg:s8], $0x6FFFF;
	_ =	strace $0x90000046  }
0xb4: {  	s29 =	simm.s32 $0x9;
	_ =	strace $0x80000048  }
0xb5: {  	_ =	swait.ge [sflag:s29], $0x1  }
0xb6: {  	[sflag:s29] =	ssyncadd.s32 $0xFFFFFFFF  }
0xb7: {  	_ =	strace $0x90000048  }
0xb8: {  	_ =	sfence  }
0xb9: {  	s30 =	sld [smem:$0x0];
	_ =	sdelay $0x2  }
0xba: {  	s31 =	sshll.u32 s1, $0xD;
	s1 =	sshrl.u32 s1, $0x2  }
0xbb: {  	s3 =	sand.u32 $0x4000, s31;
	s1 =	sadd.s32 s1, s30  }
0xbc: {  	s0 =	sor.u32 s3, s0;
	s1 =	sshll.u32 s1, $0x11  }
0xbd: {  	s0 =	sor.u32 s1, s0  }
0xbe: {  	s0 =	sadd.s32 $0x8F2B, s0  }
0xbf: {  	[sflag:s0] =	ssyncadd.remote.s32 $0x1  }
0xc0: {  	_ =	sfence.sel $0xFFFF  }
0xc1: {  	[dreg:$0x0] =	wrdreg $0xFFFFFFFF;
	(pc) =	sbr.abs _section_cstart, $3  }
0xc2: {  	[dreg:$0x1] =	wrdreg $0xFFFFFFFF  }
0xc3: {  	_ =	task.clear_ibuf [dreg:s8], $0x2FFFF;
	_ =	strace $0x9FFFFFFF  }
0xc4: {  	(tm) =	ssettm $0x7FFFFFFF  }
0xc5: {  	_ =	shalt  }
tec
execute0_lowered:
.L_overlay_start_1:
0x0: {  	(tag) =	ssettag $0x1  }
0x1: {  	s0 =	rddreg [dreg:$0x0]  }
0x2: {  	s1 =	rddreg [dreg:$0x1];
	s2 =	srdreg.scid  }
0x3: {  	s5 =	stileid.u32;
	s3 =	rddreg [dreg:$0x2];
	s15 =	simm.s32 $0x40000  }
0x4: {  	s16 =	simm.s32 $0x2000;
	s19 =	simm.s32 $0x1;
	s20 =	simm.s32 $0x2  }
0x5: {  	s22 =	simm.s32 $0x3;
	s4 =	sand.u32 $0x1, s2;
	s5 =	sshll.u32 s5, $0x1  }
0x6: {  	s23 =	simm.s32 $0x0;
	s2 =	simm.s32 $0x0;
	s12 =	sor.u32 s4, s5  }
0x7: {  	[smem:$0x7FF] =	sst s2;
	s4 =	ssub.s32 $0x2, s4;
	s5 =	sshll.u32 s12, $0xA  }
0x8: {  	_ =	strace $0x80000047;
	s6 =	sshrl.u32 s4, $0x1;
	s1 =	sadd.s32 s5, s1  }
0x9: {  	s31 =	sshll.u32 s12, $0x7;
	s0 =	sadd.s32 s5, s0;
	s25 =	sadd.s32 $0x58000, s1  }
0xa: {  	s4 =	ssub.s32 s4, s6;
	s5 =	sadd.s32 $0x1C0000, s0;
	[dreg:$0xe] =	wrdreg s25  }
0xb: {  	s13 =	sadd.s32 s3, s31;
	s26 =	sadd.s32 $0x60000, s1;
	[dreg:$0xf] =	wrdreg s5  }
0xc: {  	s28 =	sadd.s32 $0x1E8000, s0;
	s29 =	sadd.s32 $0x68000, s1;
	[dreg:$0x10] =	wrdreg s26  }
0xd: {  	s30 =	sadd.s32 $0x210000, s0;
	s9 =	sadd.s32 $0x70000, s1;
	[dreg:$0x11] =	wrdreg s28  }
0xe: {  	s10 =	sadd.s32 $0x238000, s0;
	s11 =	sadd.s32 $0x78000, s1;
	[dreg:$0x12] =	wrdreg s29  }
0xf: {  	v0 =	vimm.f32 $0.0e+00;
	s12 =	sadd.s32 $0x260000, s0;
	s14 =	smax.u32 s4, $0x1;
	[dreg:$0x13] =	wrdreg s30  }
.LBB2_1:
0x10: {  	s0 =	rddreg [dreg:$0xe]  }
0x11: {  	[tilespmem:s2], [sflag:$0x1] =	stream.linear.gather [hbm4b:s0+s2], $0x2000, $0x38;
	[tilespmem:$0x14400] =	vst v63  }
0x12: {  	s28 =	rddreg [dreg:$0xf]  }
0x13: {  	[tilespmem:s16], [sflag:$0x1] =	stream.strided.gather [hbm4b:s28+s16], $0x8000, s15, s16, $0x38;
	[tilespmem:$0x14400] =	vst v63  }
0x14: {  	s29 =	rddreg [dreg:$0x10];
	s1 =	simm.s32 $0xA000  }
0x15: {  	[tilespmem:s1], [sflag:$0x2] =	stream.linear.gather [hbm4b:s29+s2], $0x2000, $0x38;
	[tilespmem:$0x14400] =	vst v63  }
0x16: {  	s30 =	rddreg [dreg:$0x11];
	s31 =	simm.s32 $0xC000  }
0x17: {  	[tilespmem:s31], [sflag:$0x2] =	stream.strided.gather [hbm4b:s30+s16], $0x8000, s15, s16, $0x38;
	[tilespmem:$0x14400] =	vst v63  }
0x18: {  	_ =	swait.ge [sflag:s19], $0x2000  }
0x19: {  	[sflag:s19] =	ssyncset.done $0x0  }
0x1a: {  	[sflag:s19] =	ssyncadd.s32 $0xFFFFE000  }
0x1b: {  	_ =	swait.ge [sflag:s19], $0x8000  }
0x1c: {  	v1 =	vimm.f32 $0.0e+00;
	v2 =	vimm.f32 $0.0e+00;
	[sflag:s19] =	ssyncset.done $0x0  }
0x1d: {  	v3 =	vimm.f32 $0.0e+00;
	v4 =	vimm.f32 $0.0e+00;
	v5 =	vimm.f32 $0.0e+00;
	s24 =	simm.s32 $0x0;
	[sflag:s19] =	ssyncadd.s32 $0xFFFF8000  }
.LBB2_2:
0x1e: {  	s0 =	sshll.u32 s24, $0x9;
	s1 =	sshll.u32 s24, $0x7  }
0x1f: {  	s3 =	simm.s32 $0x0;
	s0 =	sand.u32 $0x1000, s0;
	s1 =	sand.u32 $0x380, s1  }
0x20: {  	s29 =	sand.u32 $0x40, s3;
	s28 =	sand.u32 $0xC00, s3;
	s30 =	sor.u32 s0, s1  }
0x21: {  	s25 =	sor.u32 $0x30, s29;
	s0 =	sor.u32 s28, s30  }
0x22: {  	s6 =	sor.u32 s25, s0  }
0x23: {  	s26 =	sor.u32 $0x20, s29;
	v7 =	vld [tilespmem:s6+$0x2000]  }
0x24: {  	s31 =	sor.u32 $0x8000, s30;
	s8 =	sor.u32 s26, s0;
	v10 =	vld [tilespmem:s6+$0x0]  }
0x25: {  	s4 =	sadd.s32 s28, s31;
	v9 =	vld [tilespmem:s8+$0x2000]  }
0x26: {  	s7 =	sadd.s32 s25, s4;
	v12 =	vld [tilespmem:s8+$0x0]  }
0x27: {  	s21 =	sor.u32 $0x10, s29;
	s17 =	sadd.s32 s26, s4;
	v6 =	vld [tilespmem:s7+$0x0]  }
0x28: {  	s5 =	sadd.s32 s21, s4;
	v8 =	vld [tilespmem:s17+$0x0]  }
0x29: {  	s17 =	sor.u32 s21, s0;
	v11 =	vld [tilespmem:s5+$0x0]  }
0x2a: {  	s18 =	sor.u32 $0x4000, s30;
	s0 =	sor.u32 s29, s0;
	v13 =	vld [tilespmem:s17+$0x2000]  }
0x2b: {  	[dreg:$0x4] =	wrdreg s18;
	v17 =	vld [tilespmem:s0+$0x0]  }
0x2c: {  	s3 =	rddreg [dreg:$0x4];
	v18 =	vld [tilespmem:s0+$0x2000]  }
0x2d: {  	s6 =	sor.u32 $0x6000, s30;
	s3 =	sadd.s32 s28, s3;
	s7 =	sadd.s32 s29, s4;
	v16 =	vld [tilespmem:s17+$0x0]  }
0x2e: {  	s1 =	simm.s32 $0x200;
	[dreg:$0x5] =	wrdreg s6;
	v14 =	vld [tilespmem:s7+$0x0];
	s8 =	sadd.s32 s25, s3  }
0x2f: {  	s17 =	rddreg [dreg:$0x5];
	s18 =	sadd.s32 s26, s3;
	s0 =	simm.s32 $0x40;
	v15 =	vld [tilespmem:s8+$0x0]  }
.LBB2_3:
0x30: {  	s5 =	sadd.s32 s21, s3  }
0x31: {  	s6 =	sadd.s32 s28, s17;
	v19 =	vld [tilespmem:s5+$0x0]  }
0x32: {  	s4 =	sand.u32 $0x40, s0;
	s28 =	sand.u32 $0xC00, s1;
	s17 =	sadd.s32 s29, s6;
	vm1 =	veq.s32 v17, $0x1;
	v17 =	vld [tilespmem:s18+$0x0]  }
0x33: {  	s8 =	sadd.s32 s29, s3;
	s5 =	sor.u32 $0x30, s4;
	s18 =	sor.u32 s28, s30;
	v18 =	vnsel vm1, $0x0, v18;
	vm3 =	veq.s32 v16, $0x1;
	v16 =	vld [tilespmem:s17+$0x0]  }
0x34: {  	vm0 =	veq.s32 v10, $0x1;
	s7 =	sor.u32 s5, s18;
	v5 =	vadd.f32 v18, v5;
	v18 =	vld [tilespmem:s8+$0x0]  }
0x35: {  	vm2 =	veq.s32 v12, $0x1;
	v12 =	vnsel vm0, $0x0, v7;
	v7 =	vld [tilespmem:s7+$0x2000]  }
0x36: {  	s17 =	sadd.s32 s28, s31;
	v13 =	vnsel vm3, $0x0, v13;
	s8 =	sadd.s32 s21, s6;
	v10 =	vld [tilespmem:s7+$0x0]  }
0x37: {  	s29 =	smov.u32 s4;
	s21 =	sadd.s32 s5, s17;
	v5 =	vadd.f32 v13, v5;
	v13 =	vld [tilespmem:s8+$0x0]  }
0x38: {  	v20 =	vnsel vm0, $0x0, v6;
	s4 =	sadd.s32 s26, s6;
	v9 =	vnsel vm2, $0x0, v9;
	s26 =	sor.u32 $0x20, s29;
	v21 =	vnsel vm2, $0x0, v8;
	v6 =	vld [tilespmem:s21+$0x0]  }
0x39: {  	v8 =	vnsel vm1, $0x0, v14;
	s7 =	sadd.s32 s25, s6;
	s6 =	sadd.s32 s26, s17;
	v14 =	vnsel vm3, $0x0, v19;
	v19 =	vld [tilespmem:s4+$0x0];
	v5 =	vadd.f32 v9, v5  }
0x3a: {  	v2 =	vadd.f32 v8, v2;
	v8 =	vld [tilespmem:s6+$0x0];
	v16 =	vnsel vm1, $0x0, v16;
	v9 =	vnsel vm1, $0x0, v18  }
0x3b: {  	s8 =	sor.u32 s26, s18;
	v3 =	vadd.f32 v16, v3;
	v16 =	vld [tilespmem:s7+$0x0];
	v5 =	vadd.f32 v12, v5;
	v12 =	vsel vm1, $0x3F800000, v0  }
0x3c: {  	s21 =	sor.u32 $0x10, s29;
	v4 =	vadd.f32 v9, v4;
	v9 =	vld [tilespmem:s8+$0x2000];
	v1 =	vadd.f32 v12, v1;
	v12 =	vnsel vm3, $0x0, v13  }
0x3d: {  	s25 =	smov.u32 s5;
	s5 =	sor.u32 s21, s18;
	v13 =	vsel vm3, $0x3F800000, v0;
	v3 =	vadd.f32 v12, v3;
	v12 =	vld [tilespmem:s8+$0x0]  }
0x3e: {  	v11 =	vnsel vm3, $0x0, v11;
	s8 =	sor.u32 s29, s18;
	v1 =	vadd.f32 v13, v1;
	v13 =	vld [tilespmem:s5+$0x2000]  }
0x3f: {  	p0 =	sne.s32 s0, $0x1C0;
	v2 =	vadd.f32 v11, v2;
	s7 =	sadd.s32 s21, s17;
	v11 =	vnsel vm2, $0x0, v19;
	v4 =	vadd.f32 v14, v4;
	v18 =	vld [tilespmem:s8+$0x2000]  }
.Ltmp0:
0x40: {  	v17 =	vnsel vm2, $0x0, v17;
	s18 =	rddreg [dreg:$0x4];
	v3 =	vadd.f32 v11, v3;
	v11 =	vld [tilespmem:s7+$0x0];
	(pc) =	sbr.rel @p0 .LBB2_3-.Ltmp0, $4  }
0x41: {  	v15 =	vnsel vm0, $0x0, v15;
	v14 =	vsel vm2, $0x3F800000, v0;
	s3 =	sadd.s32 s28, s18;
	v4 =	vadd.f32 v17, v4;
	v17 =	vld [tilespmem:s8+$0x0]  }
0x42: {  	v2 =	vadd.f32 v21, v2;
	s8 =	sadd.s32 s25, s3;
	v1 =	vadd.f32 v14, v1;
	v14 =	vnsel vm0, $0x0, v16;
	v16 =	vld [tilespmem:s5+$0x0]  }
0x43: {  	s1 =	sadd.s32 $0x200, s1;
	s7 =	sadd.s32 s29, s17;
	v4 =	vadd.f32 v15, v4;
	v3 =	vadd.f32 v14, v3;
	v14 =	vsel vm0, $0x3F800000, v0;
	v15 =	vld [tilespmem:s8+$0x0]  }
0x44: {  	s0 =	sadd.s32 $0x40, s0;
	v2 =	vadd.f32 v20, v2;
	s17 =	rddreg [dreg:$0x5];
	s18 =	sadd.s32 s26, s3;
	v1 =	vadd.f32 v14, v1;
	v14 =	vld [tilespmem:s7+$0x0]  }
0x45: {  	s0 =	sadd.s32 s21, s3;
	v53 =	vld [tilespmem:s18+$0x0]  }
0x46: {  	s1 =	sadd.s32 s29, s3;
	s18 =	sadd.s32 s28, s17;
	vm1 =	veq.s32 v17, $0x1;
	v19 =	vld [tilespmem:s0+$0x0]  }
0x47: {  	vm0 =	veq.s32 v10, $0x1;
	v54 =	vld [tilespmem:s1+$0x0];
	s28 =	sadd.s32 s29, s18;
	v18 =	vnsel vm1, $0x0, v18  }
0x48: {  	vm3 =	veq.s32 v12, $0x1;
	vm2 =	veq.s32 v16, $0x1;
	v55 =	vld [tilespmem:s28+$0x0];
	v5 =	vadd.f32 v18, v5  }
0x49: {  	s29 =	sadd.s32 s21, s18;
	v7 =	vnsel vm0, $0x0, v7;
	v9 =	vnsel vm3, $0x0, v9;
	v13 =	vnsel vm2, $0x0, v13  }
0x4a: {  	v6 =	vnsel vm0, $0x0, v6;
	v8 =	vnsel vm3, $0x0, v8;
	v56 =	vld [tilespmem:s29+$0x0];
	v5 =	vadd.f32 v13, v5  }
0x4b: {  	s30 =	sadd.s32 s26, s18;
	v57 =	vnsel vm0, $0x0, v15;
	v11 =	vnsel vm2, $0x0, v11;
	v59 =	vnsel vm1, $0x0, v14  }
0x4c: {  	v61 =	vld [tilespmem:s30+$0x0];
	v58 =	vnsel vm3, $0x0, v53;
	v2 =	vadd.f32 v59, v2;
	v5 =	vadd.f32 v9, v5  }
0x4d: {  	s31 =	sadd.s32 s25, s18;
	v60 =	vnsel vm2, $0x0, v19;
	v62 =	vnsel vm1, $0x0, v54;
	v16 =	vnsel vm1, $0x0, v55  }
0x4e: {  	v63 =	vld [tilespmem:s31+$0x0];
	v3 =	vadd.f32 v16, v3;
	v5 =	vadd.f32 v7, v5;
	v7 =	vsel vm1, $0x3F800000, v0  }
0x4f: {  	s24 =	sadd.s32 $0x1, s24;
	v4 =	vadd.f32 v62, v4;
	v1 =	vadd.f32 v7, v1;
	v7 =	vnsel vm2, $0x0, v56  }
0x50: {  	p0 =	sne.s32 s24, $0x10;
	v2 =	vadd.f32 v11, v2;
	v3 =	vadd.f32 v7, v3;
	v7 =	vsel vm2, $0x3F800000, v0  }
.Ltmp1:
0x51: {  	v4 =	vadd.f32 v60, v4;
	v1 =	vadd.f32 v7, v1;
	v7 =	vnsel vm3, $0x0, v61;
	(pc) =	sbr.rel @p0 .LBB2_2-.Ltmp1, $4  }
0x52: {  	v2 =	vadd.f32 v8, v2;
	v3 =	vadd.f32 v7, v3;
	v7 =	vsel vm3, $0x3F800000, v0  }
0x53: {  	v4 =	vadd.f32 v58, v4;
	v1 =	vadd.f32 v7, v1;
	v7 =	vnsel vm0, $0x0, v63  }
0x54: {  	v2 =	vadd.f32 v6, v2;
	v3 =	vadd.f32 v7, v3;
	v7 =	vsel vm0, $0x3F800000, v0  }
0x55: {  	v4 =	vadd.f32 v57, v4;
	v1 =	vadd.f32 v7, v1  }
0x56: {  	s24 =	simm.s32 $0x0;
	s0 =	rddreg [dreg:$0x12]  }
0x57: {  	[tilespmem:s24], [sflag:$0x1] =	stream.linear.gather [hbm4b:s0+s24], $0x2000, $0x38;
	[tilespmem:$0x14400] =	vst v63  }
0x58: {  	s31 =	rddreg [dreg:$0x13]  }
0x59: {  	[tilespmem:s16], [sflag:$0x1] =	stream.strided.gather [hbm4b:s31+s16], $0x8000, s15, s16, $0x38;
	[tilespmem:$0x14400] =	vst v63  }
0x5a: {  	_ =	swait.ge [sflag:s20], $0x2000  }
0x5b: {  	[sflag:s20] =	ssyncset.done $0x0  }
0x5c: {  	[sflag:s20] =	ssyncadd.s32 $0xFFFFE000  }
0x5d: {  	_ =	swait.ge [sflag:s20], $0x8000  }
0x5e: {  	[sflag:s20] =	ssyncset.done $0x0  }
0x5f: {  	s25 =	simm.s32 $0x0;
	[sflag:s20] =	ssyncadd.s32 $0xFFFF8000  }
.LBB2_6:
0x60: {  	s0 =	sshll.u32 s25, $0x9;
	s1 =	sshll.u32 s25, $0x7  }
0x61: {  	s0 =	sand.u32 $0x1000, s0;
	s1 =	sand.u32 $0x380, s1  }
0x62: {  	s30 =	sand.u32 $0x40, s24;
	s29 =	sand.u32 $0xC00, s24;
	s31 =	sor.u32 s0, s1  }
0x63: {  	s26 =	sor.u32 $0x30, s30;
	s0 =	sor.u32 s29, s31  }
0x64: {  	s3 =	sor.u32 s26, s0  }
0x65: {  	s28 =	sor.u32 $0x20, s30;
	v7 =	vld [tilespmem:s3+$0xC000]  }
0x66: {  	s7 =	sor.u32 s28, s0;
	v10 =	vld [tilespmem:s3+$0xA000]  }
0x67: {  	s17 =	sor.u32 $0x10, s30;
	v9 =	vld [tilespmem:s7+$0xC000]  }
0x68: {  	s6 =	sor.u32 s17, s0;
	v12 =	vld [tilespmem:s7+$0xA000]  }
0x69: {  	s0 =	sor.u32 s30, s0;
	v13 =	vld [tilespmem:s6+$0xC000]  }
0x6a: {  	s1 =	sor.u32 $0x12000, s31;
	v17 =	vld [tilespmem:s0+$0xA000]  }
0x6b: {  	s4 =	sadd.s32 s29, s1;
	v18 =	vld [tilespmem:s0+$0xC000]  }
0x6c: {  	s18 =	sor.u32 $0xE000, s31;
	s5 =	sadd.s32 s26, s4;
	v16 =	vld [tilespmem:s6+$0xA000]  }
0x6d: {  	[dreg:$0x6] =	wrdreg s18;
	s8 =	sadd.s32 s28, s4;
	v6 =	vld [tilespmem:s5+$0x0]  }
0x6e: {  	s21 =	sadd.s32 s17, s4;
	v8 =	vld [tilespmem:s8+$0x0];
	s5 =	rddreg [dreg:$0x6]  }
0x6f: {  	s7 =	sor.u32 $0x10000, s31;
	v11 =	vld [tilespmem:s21+$0x0];
	s8 =	sadd.s32 s30, s4;
	s3 =	sadd.s32 s29, s5  }
0x70: {  	s0 =	simm.s32 $0x200;
	[dreg:$0x7] =	wrdreg s7;
	v14 =	vld [tilespmem:s8+$0x0];
	s21 =	sadd.s32 s26, s3  }
0x71: {  	s18 =	rddreg [dreg:$0x7];
	s4 =	sadd.s32 s28, s3;
	v15 =	vld [tilespmem:s21+$0x0];
	s21 =	simm.s32 $0x40  }
.LBB2_7:
0x72: {  	s6 =	sadd.s32 s17, s3  }
0x73: {  	s5 =	sand.u32 $0x40, s21;
	v19 =	vld [tilespmem:s6+$0x0];
	vm1 =	veq.s32 v17, $0x1  }
0x74: {  	s8 =	sadd.s32 s30, s3;
	s7 =	sadd.s32 s29, s18;
	s29 =	sand.u32 $0xC00, s0;
	v17 =	vld [tilespmem:s4+$0x0];
	v18 =	vnsel vm1, $0x0, v18  }
0x75: {  	s3 =	sor.u32 s29, s31;
	s6 =	sor.u32 $0x30, s5;
	s18 =	sadd.s32 s30, s7;
	v5 =	vadd.f32 v18, v5;
	v18 =	vld [tilespmem:s8+$0x0]  }
0x76: {  	vm0 =	veq.s32 v10, $0x1;
	vm3 =	veq.s32 v16, $0x1;
	s8 =	sor.u32 s6, s3;
	v16 =	vld [tilespmem:s18+$0x0]  }
0x77: {  	vm2 =	veq.s32 v12, $0x1;
	v12 =	vnsel vm0, $0x0, v7;
	v7 =	vld [tilespmem:s8+$0xC000]  }
0x78: {  	s30 =	smov.u32 s5;
	s5 =	sadd.s32 s17, s7;
	s18 =	sadd.s32 s29, s1;
	v13 =	vnsel vm3, $0x0, v13;
	v10 =	vld [tilespmem:s8+$0xA000]  }
0x79: {  	s17 =	sadd.s32 s6, s18;
	v5 =	vadd.f32 v13, v5;
	v13 =	vld [tilespmem:s5+$0x0]  }
0x7a: {  	v20 =	vnsel vm0, $0x0, v6;
	v9 =	vnsel vm2, $0x0, v9;
	v6 =	vld [tilespmem:s17+$0x0];
	s5 =	sadd.s32 s28, s7;
	s28 =	sor.u32 $0x20, s30;
	s7 =	sadd.s32 s26, s7  }
0x7b: {  	v21 =	vnsel vm2, $0x0, v8;
	v8 =	vnsel vm1, $0x0, v14;
	v14 =	vnsel vm3, $0x0, v19;
	s26 =	smov.u32 s6;
	s17 =	sor.u32 $0x10, s30;
	v19 =	vld [tilespmem:s5+$0x0];
	s6 =	sadd.s32 s28, s18  }
0x7c: {  	v2 =	vadd.f32 v8, v2;
	s8 =	sor.u32 s28, s3;
	s4 =	sor.u32 s17, s3;
	s3 =	sor.u32 s30, s3;
	v5 =	vadd.f32 v9, v5;
	v8 =	vld [tilespmem:s6+$0x0]  }
0x7d: {  	v11 =	vnsel vm3, $0x0, v11;
	v9 =	vnsel vm1, $0x0, v18;
	v16 =	vnsel vm1, $0x0, v16;
	v18 =	vld [tilespmem:s3+$0xC000]  }
0x7e: {  	v5 =	vadd.f32 v12, v5;
	v3 =	vadd.f32 v16, v3;
	v12 =	vsel vm1, $0x3F800000, v0;
	v16 =	vld [tilespmem:s7+$0x0]  }
0x7f: {  	v4 =	vadd.f32 v9, v4;
	v9 =	vld [tilespmem:s8+$0xC000];
	v1 =	vadd.f32 v12, v1;
	v12 =	vnsel vm3, $0x0, v13  }
0x80: {  	v2 =	vadd.f32 v11, v2;
	v13 =	vsel vm3, $0x3F800000, v0;
	v3 =	vadd.f32 v12, v3;
	v12 =	vld [tilespmem:s8+$0xA000]  }
0x81: {  	p0 =	sne.s32 s21, $0x1C0;
	s7 =	sadd.s32 s17, s18;
	v4 =	vadd.f32 v14, v4;
	v11 =	vnsel vm2, $0x0, v19;
	v1 =	vadd.f32 v13, v1;
	v13 =	vld [tilespmem:s4+$0xC000]  }
.Ltmp2:
0x82: {  	v17 =	vnsel vm2, $0x0, v17;
	s8 =	rddreg [dreg:$0x6];
	v3 =	vadd.f32 v11, v3;
	v11 =	vld [tilespmem:s7+$0x0];
	(pc) =	sbr.rel @p0 .LBB2_7-.Ltmp2, $4  }
0x83: {  	v15 =	vnsel vm0, $0x0, v15;
	v14 =	vsel vm2, $0x3F800000, v0;
	v4 =	vadd.f32 v17, v4;
	v17 =	vld [tilespmem:s3+$0xA000];
	s3 =	sadd.s32 s29, s8  }
0x84: {  	v2 =	vadd.f32 v21, v2;
	v1 =	vadd.f32 v14, v1;
	v14 =	vnsel vm0, $0x0, v16;
	v16 =	vld [tilespmem:s4+$0xA000];
	s8 =	sadd.s32 s26, s3  }
0x85: {  	s0 =	sadd.s32 $0x200, s0;
	s7 =	sadd.s32 s30, s18;
	v4 =	vadd.f32 v15, v4;
	v3 =	vadd.f32 v14, v3;
	v14 =	vsel vm0, $0x3F800000, v0;
	v15 =	vld [tilespmem:s8+$0x0]  }
0x86: {  	s21 =	sadd.s32 $0x40, s21;
	v2 =	vadd.f32 v20, v2;
	s18 =	rddreg [dreg:$0x7];
	s4 =	sadd.s32 s28, s3;
	v1 =	vadd.f32 v14, v1;
	v14 =	vld [tilespmem:s7+$0x0]  }
0x87: {  	s0 =	sadd.s32 s17, s3;
	v53 =	vld [tilespmem:s4+$0x0]  }
0x88: {  	s1 =	sadd.s32 s30, s3;
	s18 =	sadd.s32 s29, s18;
	vm1 =	veq.s32 v17, $0x1;
	v19 =	vld [tilespmem:s0+$0x0]  }
0x89: {  	vm0 =	veq.s32 v10, $0x1;
	v54 =	vld [tilespmem:s1+$0x0];
	s21 =	sadd.s32 s30, s18;
	v18 =	vnsel vm1, $0x0, v18  }
0x8a: {  	vm3 =	veq.s32 v12, $0x1;
	vm2 =	veq.s32 v16, $0x1;
	v55 =	vld [tilespmem:s21+$0x0];
	v5 =	vadd.f32 v18, v5  }
0x8b: {  	s29 =	sadd.s32 s17, s18;
	v7 =	vnsel vm0, $0x0, v7;
	v9 =	vnsel vm3, $0x0, v9;
	v13 =	vnsel vm2, $0x0, v13  }
0x8c: {  	v6 =	vnsel vm0, $0x0, v6;
	v8 =	vnsel vm3, $0x0, v8;
	v56 =	vld [tilespmem:s29+$0x0];
	v5 =	vadd.f32 v13, v5  }
0x8d: {  	s30 =	sadd.s32 s28, s18;
	v57 =	vnsel vm0, $0x0, v15;
	v11 =	vnsel vm2, $0x0, v11;
	v59 =	vnsel vm1, $0x0, v14  }
0x8e: {  	v61 =	vld [tilespmem:s30+$0x0];
	v58 =	vnsel vm3, $0x0, v53;
	v2 =	vadd.f32 v59, v2;
	v5 =	vadd.f32 v9, v5  }
0x8f: {  	s31 =	sadd.s32 s26, s18;
	v60 =	vnsel vm2, $0x0, v19;
	v62 =	vnsel vm1, $0x0, v54;
	v16 =	vnsel vm1, $0x0, v55  }
0x90: {  	v63 =	vld [tilespmem:s31+$0x0];
	v3 =	vadd.f32 v16, v3;
	v5 =	vadd.f32 v7, v5;
	v7 =	vsel vm1, $0x3F800000, v0  }
0x91: {  	s25 =	sadd.s32 $0x1, s25;
	v4 =	vadd.f32 v62, v4;
	v1 =	vadd.f32 v7, v1;
	v7 =	vnsel vm2, $0x0, v56  }
0x92: {  	p0 =	sne.s32 s25, $0x10;
	v2 =	vadd.f32 v11, v2;
	v3 =	vadd.f32 v7, v3;
	v7 =	vsel vm2, $0x3F800000, v0  }
.Ltmp3:
0x93: {  	v4 =	vadd.f32 v60, v4;
	v1 =	vadd.f32 v7, v1;
	v7 =	vnsel vm3, $0x0, v61;
	(pc) =	sbr.rel @p0 .LBB2_6-.Ltmp3, $4  }
0x94: {  	v2 =	vadd.f32 v8, v2;
	v3 =	vadd.f32 v7, v3;
	v7 =	vsel vm3, $0x3F800000, v0  }
0x95: {  	v4 =	vadd.f32 v58, v4;
	v1 =	vadd.f32 v7, v1;
	v7 =	vnsel vm0, $0x0, v63  }
0x96: {  	v2 =	vadd.f32 v6, v2;
	v3 =	vadd.f32 v7, v3;
	v7 =	vsel vm0, $0x3F800000, v0  }
0x97: {  	v4 =	vadd.f32 v57, v4;
	v1 =	vadd.f32 v7, v1  }
0x98: {  	s24 =	simm.s32 $0x0;
	s0 =	simm.s32 $0xA000  }
0x99: {  	[tilespmem:s0], [sflag:$0x2] =	stream.linear.gather [hbm4b:s9+s24], $0x2000, $0x38;
	[tilespmem:$0x14400] =	vst v63  }
0x9a: {  	s31 =	simm.s32 $0xC000  }
0x9b: {  	[tilespmem:s31], [sflag:$0x2] =	stream.strided.gather [hbm4b:s10+s16], $0x8000, s15, s16, $0x38;
	[tilespmem:$0x14400] =	vst v63  }
0x9c: {  	_ =	swait.ge [sflag:s19], $0x2000  }
0x9d: {  	[sflag:s19] =	ssyncset.done $0x0  }
0x9e: {  	[sflag:s19] =	ssyncadd.s32 $0xFFFFE000  }
0x9f: {  	_ =	swait.ge [sflag:s19], $0x8000  }
0xa0: {  	[sflag:s19] =	ssyncset.done $0x0  }
0xa1: {  	s25 =	simm.s32 $0x0;
	[sflag:s19] =	ssyncadd.s32 $0xFFFF8000  }
.LBB2_10:
0xa2: {  	s0 =	sshll.u32 s25, $0x9;
	s1 =	sshll.u32 s25, $0x7  }
0xa3: {  	s0 =	sand.u32 $0x1000, s0;
	s1 =	sand.u32 $0x380, s1  }
0xa4: {  	s30 =	sand.u32 $0x40, s24;
	s29 =	sand.u32 $0xC00, s24;
	s31 =	sor.u32 s0, s1  }
0xa5: {  	s26 =	sor.u32 $0x30, s30;
	s0 =	sor.u32 s29, s31  }
0xa6: {  	s3 =	sor.u32 s26, s0  }
0xa7: {  	s28 =	sor.u32 $0x20, s30;
	v7 =	vld [tilespmem:s3+$0x2000]  }
0xa8: {  	s7 =	sor.u32 s28, s0;
	v10 =	vld [tilespmem:s3+$0x0]  }
0xa9: {  	s17 =	sor.u32 $0x10, s30;
	v9 =	vld [tilespmem:s7+$0x2000]  }
0xaa: {  	s6 =	sor.u32 s17, s0;
	v12 =	vld [tilespmem:s7+$0x0]  }
0xab: {  	s0 =	sor.u32 s30, s0;
	v13 =	vld [tilespmem:s6+$0x2000]  }
0xac: {  	s1 =	sor.u32 $0x8000, s31;
	v17 =	vld [tilespmem:s0+$0x0]  }
0xad: {  	s4 =	sadd.s32 s29, s1;
	v18 =	vld [tilespmem:s0+$0x2000]  }
0xae: {  	s18 =	sor.u32 $0x4000, s31;
	s5 =	sadd.s32 s26, s4;
	v16 =	vld [tilespmem:s6+$0x0]  }
0xaf: {  	[dreg:$0x8] =	wrdreg s18;
	s8 =	sadd.s32 s28, s4;
	v6 =	vld [tilespmem:s5+$0x0]  }
0xb0: {  	s21 =	sadd.s32 s17, s4;
	v8 =	vld [tilespmem:s8+$0x0];
	s5 =	rddreg [dreg:$0x8]  }
0xb1: {  	s7 =	sor.u32 $0x6000, s31;
	v11 =	vld [tilespmem:s21+$0x0];
	s8 =	sadd.s32 s30, s4;
	s3 =	sadd.s32 s29, s5  }
0xb2: {  	s0 =	simm.s32 $0x200;
	[dreg:$0x9] =	wrdreg s7;
	v14 =	vld [tilespmem:s8+$0x0];
	s21 =	sadd.s32 s26, s3  }
0xb3: {  	s18 =	rddreg [dreg:$0x9];
	s4 =	sadd.s32 s28, s3;
	v15 =	vld [tilespmem:s21+$0x0];
	s21 =	simm.s32 $0x40  }
.LBB2_11:
0xb4: {  	s6 =	sadd.s32 s17, s3  }
0xb5: {  	s5 =	sand.u32 $0x40, s21;
	v19 =	vld [tilespmem:s6+$0x0];
	vm1 =	veq.s32 v17, $0x1  }
0xb6: {  	s8 =	sadd.s32 s30, s3;
	s7 =	sadd.s32 s29, s18;
	s29 =	sand.u32 $0xC00, s0;
	v17 =	vld [tilespmem:s4+$0x0];
	v18 =	vnsel vm1, $0x0, v18  }
0xb7: {  	s3 =	sor.u32 s29, s31;
	s6 =	sor.u32 $0x30, s5;
	s18 =	sadd.s32 s30, s7;
	v5 =	vadd.f32 v18, v5;
	v18 =	vld [tilespmem:s8+$0x0]  }
0xb8: {  	vm0 =	veq.s32 v10, $0x1;
	vm3 =	veq.s32 v16, $0x1;
	s8 =	sor.u32 s6, s3;
	v16 =	vld [tilespmem:s18+$0x0]  }
0xb9: {  	vm2 =	veq.s32 v12, $0x1;
	v12 =	vnsel vm0, $0x0, v7;
	v7 =	vld [tilespmem:s8+$0x2000]  }
0xba: {  	s30 =	smov.u32 s5;
	s5 =	sadd.s32 s17, s7;
	s18 =	sadd.s32 s29, s1;
	v13 =	vnsel vm3, $0x0, v13;
	v10 =	vld [tilespmem:s8+$0x0]  }
0xbb: {  	s17 =	sadd.s32 s6, s18;
	v5 =	vadd.f32 v13, v5;
	v13 =	vld [tilespmem:s5+$0x0]  }
0xbc: {  	v20 =	vnsel vm0, $0x0, v6;
	v9 =	vnsel vm2, $0x0, v9;
	v6 =	vld [tilespmem:s17+$0x0];
	s5 =	sadd.s32 s28, s7;
	s28 =	sor.u32 $0x20, s30;
	s7 =	sadd.s32 s26, s7  }
0xbd: {  	v21 =	vnsel vm2, $0x0, v8;
	v8 =	vnsel vm1, $0x0, v14;
	v14 =	vnsel vm3, $0x0, v19;
	s26 =	smov.u32 s6;
	s17 =	sor.u32 $0x10, s30;
	v19 =	vld [tilespmem:s5+$0x0];
	s6 =	sadd.s32 s28, s18  }
0xbe: {  	v2 =	vadd.f32 v8, v2;
	s8 =	sor.u32 s28, s3;
	s4 =	sor.u32 s17, s3;
	s3 =	sor.u32 s30, s3;
	v5 =	vadd.f32 v9, v5;
	v8 =	vld [tilespmem:s6+$0x0]  }
0xbf: {  	v11 =	vnsel vm3, $0x0, v11;
	v9 =	vnsel vm1, $0x0, v18;
	v16 =	vnsel vm1, $0x0, v16;
	v18 =	vld [tilespmem:s3+$0x2000]  }
0xc0: {  	v5 =	vadd.f32 v12, v5;
	v3 =	vadd.f32 v16, v3;
	v12 =	vsel vm1, $0x3F800000, v0;
	v16 =	vld [tilespmem:s7+$0x0]  }
0xc1: {  	v4 =	vadd.f32 v9, v4;
	v9 =	vld [tilespmem:s8+$0x2000];
	v1 =	vadd.f32 v12, v1;
	v12 =	vnsel vm3, $0x0, v13  }
0xc2: {  	v2 =	vadd.f32 v11, v2;
	v13 =	vsel vm3, $0x3F800000, v0;
	v3 =	vadd.f32 v12, v3;
	v12 =	vld [tilespmem:s8+$0x0]  }
0xc3: {  	p0 =	sne.s32 s21, $0x1C0;
	s7 =	sadd.s32 s17, s18;
	v4 =	vadd.f32 v14, v4;
	v11 =	vnsel vm2, $0x0, v19;
	v1 =	vadd.f32 v13, v1;
	v13 =	vld [tilespmem:s4+$0x2000]  }
.Ltmp4:
0xc4: {  	v17 =	vnsel vm2, $0x0, v17;
	s8 =	rddreg [dreg:$0x8];
	v3 =	vadd.f32 v11, v3;
	v11 =	vld [tilespmem:s7+$0x0];
	(pc) =	sbr.rel @p0 .LBB2_11-.Ltmp4, $4  }
0xc5: {  	v15 =	vnsel vm0, $0x0, v15;
	v14 =	vsel vm2, $0x3F800000, v0;
	v4 =	vadd.f32 v17, v4;
	v17 =	vld [tilespmem:s3+$0x0];
	s3 =	sadd.s32 s29, s8  }
0xc6: {  	v2 =	vadd.f32 v21, v2;
	v1 =	vadd.f32 v14, v1;
	v14 =	vnsel vm0, $0x0, v16;
	v16 =	vld [tilespmem:s4+$0x0];
	s8 =	sadd.s32 s26, s3  }
0xc7: {  	s0 =	sadd.s32 $0x200, s0;
	s7 =	sadd.s32 s30, s18;
	v4 =	vadd.f32 v15, v4;
	v3 =	vadd.f32 v14, v3;
	v14 =	vsel vm0, $0x3F800000, v0;
	v15 =	vld [tilespmem:s8+$0x0]  }
0xc8: {  	s21 =	sadd.s32 $0x40, s21;
	v2 =	vadd.f32 v20, v2;
	s18 =	rddreg [dreg:$0x9];
	s4 =	sadd.s32 s28, s3;
	v1 =	vadd.f32 v14, v1;
	v14 =	vld [tilespmem:s7+$0x0]  }
0xc9: {  	s0 =	sadd.s32 s17, s3;
	v53 =	vld [tilespmem:s4+$0x0]  }
0xca: {  	s1 =	sadd.s32 s30, s3;
	s18 =	sadd.s32 s29, s18;
	vm1 =	veq.s32 v17, $0x1;
	v19 =	vld [tilespmem:s0+$0x0]  }
0xcb: {  	vm0 =	veq.s32 v10, $0x1;
	v54 =	vld [tilespmem:s1+$0x0];
	s21 =	sadd.s32 s30, s18;
	v18 =	vnsel vm1, $0x0, v18  }
0xcc: {  	vm3 =	veq.s32 v12, $0x1;
	vm2 =	veq.s32 v16, $0x1;
	v55 =	vld [tilespmem:s21+$0x0];
	v5 =	vadd.f32 v18, v5  }
0xcd: {  	s29 =	sadd.s32 s17, s18;
	v7 =	vnsel vm0, $0x0, v7;
	v9 =	vnsel vm3, $0x0, v9;
	v13 =	vnsel vm2, $0x0, v13  }
0xce: {  	v6 =	vnsel vm0, $0x0, v6;
	v8 =	vnsel vm3, $0x0, v8;
	v56 =	vld [tilespmem:s29+$0x0];
	v5 =	vadd.f32 v13, v5  }
0xcf: {  	s30 =	sadd.s32 s28, s18;
	v57 =	vnsel vm0, $0x0, v15;
	v11 =	vnsel vm2, $0x0, v11;
	v59 =	vnsel vm1, $0x0, v14  }
0xd0: {  	v61 =	vld [tilespmem:s30+$0x0];
	v58 =	vnsel vm3, $0x0, v53;
	v2 =	vadd.f32 v59, v2;
	v5 =	vadd.f32 v9, v5  }
0xd1: {  	s31 =	sadd.s32 s26, s18;
	v60 =	vnsel vm2, $0x0, v19;
	v62 =	vnsel vm1, $0x0, v54;
	v16 =	vnsel vm1, $0x0, v55  }
0xd2: {  	v63 =	vld [tilespmem:s31+$0x0];
	v3 =	vadd.f32 v16, v3;
	v5 =	vadd.f32 v7, v5;
	v7 =	vsel vm1, $0x3F800000, v0  }
0xd3: {  	s25 =	sadd.s32 $0x1, s25;
	v4 =	vadd.f32 v62, v4;
	v1 =	vadd.f32 v7, v1;
	v7 =	vnsel vm2, $0x0, v56  }
0xd4: {  	p0 =	sne.s32 s25, $0x10;
	v2 =	vadd.f32 v11, v2;
	v3 =	vadd.f32 v7, v3;
	v7 =	vsel vm2, $0x3F800000, v0  }
.Ltmp5:
0xd5: {  	v4 =	vadd.f32 v60, v4;
	v1 =	vadd.f32 v7, v1;
	v7 =	vnsel vm3, $0x0, v61;
	(pc) =	sbr.rel @p0 .LBB2_10-.Ltmp5, $4  }
0xd6: {  	v2 =	vadd.f32 v8, v2;
	v3 =	vadd.f32 v7, v3;
	v7 =	vsel vm3, $0x3F800000, v0  }
0xd7: {  	v4 =	vadd.f32 v58, v4;
	v1 =	vadd.f32 v7, v1;
	v7 =	vnsel vm0, $0x0, v63  }
0xd8: {  	v2 =	vadd.f32 v6, v2;
	v3 =	vadd.f32 v7, v3;
	v7 =	vsel vm0, $0x3F800000, v0  }
0xd9: {  	v4 =	vadd.f32 v57, v4;
	v1 =	vadd.f32 v7, v1  }
0xda: {  	s24 =	simm.s32 $0x0  }
0xdb: {  	[tilespmem:s24], [sflag:$0x1] =	stream.linear.gather [hbm4b:s11+s24], $0x2000, $0x38;
	[tilespmem:$0x14400] =	vst v63  }
0xdc: {  	_ = 	snop  }
0xdd: {  	[tilespmem:s16], [sflag:$0x1] =	stream.strided.gather [hbm4b:s12+s16], $0x8000, s15, s16, $0x38;
	[tilespmem:$0x14400] =	vst v63  }
0xde: {  	_ =	swait.ge [sflag:s20], $0x2000  }
0xdf: {  	[sflag:s20] =	ssyncset.done $0x0  }
0xe0: {  	[sflag:s20] =	ssyncadd.s32 $0xFFFFE000  }
0xe1: {  	_ =	swait.ge [sflag:s20], $0x8000  }
0xe2: {  	[sflag:s20] =	ssyncset.done $0x0  }
0xe3: {  	s25 =	simm.s32 $0x0;
	[sflag:s20] =	ssyncadd.s32 $0xFFFF8000  }
.LBB2_14:
0xe4: {  	s0 =	sshll.u32 s25, $0x9;
	s1 =	sshll.u32 s25, $0x7  }
0xe5: {  	s0 =	sand.u32 $0x1000, s0;
	s1 =	sand.u32 $0x380, s1  }
0xe6: {  	s30 =	sand.u32 $0x40, s24;
	s29 =	sand.u32 $0xC00, s24;
	s31 =	sor.u32 s0, s1  }
0xe7: {  	s26 =	sor.u32 $0x30, s30;
	s0 =	sor.u32 s29, s31  }
0xe8: {  	s3 =	sor.u32 s26, s0  }
0xe9: {  	s28 =	sor.u32 $0x20, s30;
	v7 =	vld [tilespmem:s3+$0xC000]  }
0xea: {  	s7 =	sor.u32 s28, s0;
	v10 =	vld [tilespmem:s3+$0xA000]  }
0xeb: {  	s17 =	sor.u32 $0x10, s30;
	v9 =	vld [tilespmem:s7+$0xC000]  }
0xec: {  	s6 =	sor.u32 s17, s0;
	v12 =	vld [tilespmem:s7+$0xA000]  }
0xed: {  	s0 =	sor.u32 s30, s0;
	v13 =	vld [tilespmem:s6+$0xC000]  }
0xee: {  	s1 =	sor.u32 $0x12000, s31;
	v17 =	vld [tilespmem:s0+$0xA000]  }
0xef: {  	s4 =	sadd.s32 s29, s1;
	v18 =	vld [tilespmem:s0+$0xC000]  }
0xf0: {  	s18 =	sor.u32 $0xE000, s31;
	s5 =	sadd.s32 s26, s4;
	v16 =	vld [tilespmem:s6+$0xA000]  }
0xf1: {  	[dreg:$0xa] =	wrdreg s18;
	s8 =	sadd.s32 s28, s4;
	v6 =	vld [tilespmem:s5+$0x0]  }
0xf2: {  	s21 =	sadd.s32 s17, s4;
	v8 =	vld [tilespmem:s8+$0x0];
	s5 =	rddreg [dreg:$0xa]  }
0xf3: {  	s7 =	sor.u32 $0x10000, s31;
	v11 =	vld [tilespmem:s21+$0x0];
	s8 =	sadd.s32 s30, s4;
	s3 =	sadd.s32 s29, s5  }
0xf4: {  	s0 =	simm.s32 $0x200;
	[dreg:$0xb] =	wrdreg s7;
	v14 =	vld [tilespmem:s8+$0x0];
	s21 =	sadd.s32 s26, s3  }
0xf5: {  	s18 =	rddreg [dreg:$0xb];
	s4 =	sadd.s32 s28, s3;
	v15 =	vld [tilespmem:s21+$0x0];
	s21 =	simm.s32 $0x40  }
.LBB2_15:
0xf6: {  	s6 =	sadd.s32 s17, s3  }
0xf7: {  	s5 =	sand.u32 $0x40, s21;
	v19 =	vld [tilespmem:s6+$0x0];
	vm1 =	veq.s32 v17, $0x1  }
0xf8: {  	s8 =	sadd.s32 s30, s3;
	s7 =	sadd.s32 s29, s18;
	s29 =	sand.u32 $0xC00, s0;
	v17 =	vld [tilespmem:s4+$0x0];
	v18 =	vnsel vm1, $0x0, v18  }
0xf9: {  	s3 =	sor.u32 s29, s31;
	s6 =	sor.u32 $0x30, s5;
	s18 =	sadd.s32 s30, s7;
	v5 =	vadd.f32 v18, v5;
	v18 =	vld [tilespmem:s8+$0x0]  }
0xfa: {  	vm0 =	veq.s32 v10, $0x1;
	vm3 =	veq.s32 v16, $0x1;
	s8 =	sor.u32 s6, s3;
	v16 =	vld [tilespmem:s18+$0x0]  }
0xfb: {  	vm2 =	veq.s32 v12, $0x1;
	v12 =	vnsel vm0, $0x0, v7;
	v7 =	vld [tilespmem:s8+$0xC000]  }
0xfc: {  	s30 =	smov.u32 s5;
	s5 =	sadd.s32 s17, s7;
	s18 =	sadd.s32 s29, s1;
	v13 =	vnsel vm3, $0x0, v13;
	v10 =	vld [tilespmem:s8+$0xA000]  }
0xfd: {  	s17 =	sadd.s32 s6, s18;
	v5 =	vadd.f32 v13, v5;
	v13 =	vld [tilespmem:s5+$0x0]  }
0xfe: {  	v20 =	vnsel vm0, $0x0, v6;
	v9 =	vnsel vm2, $0x0, v9;
	v6 =	vld [tilespmem:s17+$0x0];
	s5 =	sadd.s32 s28, s7;
	s28 =	sor.u32 $0x20, s30;
	s7 =	sadd.s32 s26, s7  }
0xff: {  	v21 =	vnsel vm2, $0x0, v8;
	v8 =	vnsel vm1, $0x0, v14;
	v14 =	vnsel vm3, $0x0, v19;
	s26 =	smov.u32 s6;
	s17 =	sor.u32 $0x10, s30;
	v19 =	vld [tilespmem:s5+$0x0];
	s6 =	sadd.s32 s28, s18  }
0x100: {  	v2 =	vadd.f32 v8, v2;
	s8 =	sor.u32 s28, s3;
	s4 =	sor.u32 s17, s3;
	s3 =	sor.u32 s30, s3;
	v5 =	vadd.f32 v9, v5;
	v8 =	vld [tilespmem:s6+$0x0]  }
0x101: {  	v11 =	vnsel vm3, $0x0, v11;
	v9 =	vnsel vm1, $0x0, v18;
	v16 =	vnsel vm1, $0x0, v16;
	v18 =	vld [tilespmem:s3+$0xC000]  }
0x102: {  	v5 =	vadd.f32 v12, v5;
	v3 =	vadd.f32 v16, v3;
	v12 =	vsel vm1, $0x3F800000, v0;
	v16 =	vld [tilespmem:s7+$0x0]  }
0x103: {  	v4 =	vadd.f32 v9, v4;
	v9 =	vld [tilespmem:s8+$0xC000];
	v1 =	vadd.f32 v12, v1;
	v12 =	vnsel vm3, $0x0, v13  }
0x104: {  	v2 =	vadd.f32 v11, v2;
	v13 =	vsel vm3, $0x3F800000, v0;
	v3 =	vadd.f32 v12, v3;
	v12 =	vld [tilespmem:s8+$0xA000]  }
0x105: {  	p0 =	sne.s32 s21, $0x1C0;
	s7 =	sadd.s32 s17, s18;
	v4 =	vadd.f32 v14, v4;
	v11 =	vnsel vm2, $0x0, v19;
	v1 =	vadd.f32 v13, v1;
	v13 =	vld [tilespmem:s4+$0xC000]  }
.Ltmp6:
0x106: {  	v17 =	vnsel vm2, $0x0, v17;
	s8 =	rddreg [dreg:$0xa];
	v3 =	vadd.f32 v11, v3;
	v11 =	vld [tilespmem:s7+$0x0];
	(pc) =	sbr.rel @p0 .LBB2_15-.Ltmp6, $4  }
0x107: {  	v15 =	vnsel vm0, $0x0, v15;
	v14 =	vsel vm2, $0x3F800000, v0;
	v4 =	vadd.f32 v17, v4;
	v17 =	vld [tilespmem:s3+$0xA000];
	s3 =	sadd.s32 s29, s8  }
0x108: {  	v2 =	vadd.f32 v21, v2;
	v1 =	vadd.f32 v14, v1;
	v14 =	vnsel vm0, $0x0, v16;
	v16 =	vld [tilespmem:s4+$0xA000];
	s8 =	sadd.s32 s26, s3  }
0x109: {  	s0 =	sadd.s32 $0x200, s0;
	s7 =	sadd.s32 s30, s18;
	v4 =	vadd.f32 v15, v4;
	v3 =	vadd.f32 v14, v3;
	v14 =	vsel vm0, $0x3F800000, v0;
	v15 =	vld [tilespmem:s8+$0x0]  }
0x10a: {  	s21 =	sadd.s32 $0x40, s21;
	v2 =	vadd.f32 v20, v2;
	s18 =	rddreg [dreg:$0xb];
	s4 =	sadd.s32 s28, s3;
	v1 =	vadd.f32 v14, v1;
	v14 =	vld [tilespmem:s7+$0x0]  }
0x10b: {  	s0 =	sadd.s32 s17, s3;
	v53 =	vld [tilespmem:s4+$0x0]  }
0x10c: {  	s1 =	sadd.s32 s30, s3;
	s18 =	sadd.s32 s29, s18;
	vm1 =	veq.s32 v17, $0x1;
	v19 =	vld [tilespmem:s0+$0x0]  }
0x10d: {  	vm0 =	veq.s32 v10, $0x1;
	v54 =	vld [tilespmem:s1+$0x0];
	s21 =	sadd.s32 s30, s18;
	v18 =	vnsel vm1, $0x0, v18  }
0x10e: {  	vm3 =	veq.s32 v12, $0x1;
	vm2 =	veq.s32 v16, $0x1;
	v55 =	vld [tilespmem:s21+$0x0];
	v5 =	vadd.f32 v18, v5  }
0x10f: {  	s29 =	sadd.s32 s17, s18;
	v7 =	vnsel vm0, $0x0, v7;
	v9 =	vnsel vm3, $0x0, v9;
	v13 =	vnsel vm2, $0x0, v13  }
0x110: {  	v6 =	vnsel vm0, $0x0, v6;
	v8 =	vnsel vm3, $0x0, v8;
	v56 =	vld [tilespmem:s29+$0x0];
	v5 =	vadd.f32 v13, v5  }
0x111: {  	s30 =	sadd.s32 s28, s18;
	v57 =	vnsel vm0, $0x0, v15;
	v11 =	vnsel vm2, $0x0, v11;
	v59 =	vnsel vm1, $0x0, v14  }
0x112: {  	v61 =	vld [tilespmem:s30+$0x0];
	v58 =	vnsel vm3, $0x0, v53;
	v2 =	vadd.f32 v59, v2;
	v5 =	vadd.f32 v9, v5  }
0x113: {  	s31 =	sadd.s32 s26, s18;
	v60 =	vnsel vm2, $0x0, v19;
	v62 =	vnsel vm1, $0x0, v54;
	v16 =	vnsel vm1, $0x0, v55  }
0x114: {  	v63 =	vld [tilespmem:s31+$0x0];
	v3 =	vadd.f32 v16, v3;
	v5 =	vadd.f32 v7, v5;
	v7 =	vsel vm1, $0x3F800000, v0  }
0x115: {  	s25 =	sadd.s32 $0x1, s25;
	v4 =	vadd.f32 v62, v4;
	v1 =	vadd.f32 v7, v1;
	v7 =	vnsel vm2, $0x0, v56  }
0x116: {  	p0 =	sne.s32 s25, $0x10;
	v2 =	vadd.f32 v11, v2;
	v3 =	vadd.f32 v7, v3;
	v7 =	vsel vm2, $0x3F800000, v0  }
.Ltmp7:
0x117: {  	v4 =	vadd.f32 v60, v4;
	v1 =	vadd.f32 v7, v1;
	v7 =	vnsel vm3, $0x0, v61;
	(pc) =	sbr.rel @p0 .LBB2_14-.Ltmp7, $4  }
0x118: {  	v2 =	vadd.f32 v8, v2;
	v3 =	vadd.f32 v7, v3;
	v7 =	vsel vm3, $0x3F800000, v0  }
0x119: {  	v4 =	vadd.f32 v58, v4;
	v1 =	vadd.f32 v7, v1;
	v7 =	vnsel vm0, $0x0, v63  }
0x11a: {  	v2 =	vadd.f32 v6, v2;
	v3 =	vadd.f32 v7, v3;
	v7 =	vsel vm0, $0x3F800000, v0  }
0x11b: {  	v4 =	vadd.f32 v57, v4;
	v1 =	vadd.f32 v7, v1  }
0x11c: {  	_ =	swait.ge [sflag:s19], $0x2000  }
0x11d: {  	[sflag:s19] =	ssyncset.done $0x0  }
0x11e: {  	[sflag:s19] =	ssyncadd.s32 $0xFFFFE000  }
0x11f: {  	_ =	swait.ge [sflag:s19], $0x8000  }
0x120: {  	[sflag:s19] =	ssyncset.done $0x0  }
0x121: {  	s24 =	simm.s32 $0x0;
	s25 =	simm.s32 $0x0;
	[sflag:s19] =	ssyncadd.s32 $0xFFFF8000  }
.LBB2_18:
0x122: {  	s0 =	sshll.u32 s25, $0x9;
	s1 =	sshll.u32 s25, $0x7  }
0x123: {  	s0 =	sand.u32 $0x1000, s0;
	s1 =	sand.u32 $0x380, s1  }
0x124: {  	s30 =	sand.u32 $0x40, s24;
	s29 =	sand.u32 $0xC00, s24;
	s31 =	sor.u32 s0, s1  }
0x125: {  	s26 =	sor.u32 $0x30, s30;
	s0 =	sor.u32 s29, s31  }
0x126: {  	s3 =	sor.u32 s26, s0  }
0x127: {  	s28 =	sor.u32 $0x20, s30;
	v7 =	vld [tilespmem:s3+$0x2000]  }
0x128: {  	s7 =	sor.u32 s28, s0;
	v10 =	vld [tilespmem:s3+$0x0]  }
0x129: {  	s17 =	sor.u32 $0x10, s30;
	v9 =	vld [tilespmem:s7+$0x2000]  }
0x12a: {  	s6 =	sor.u32 s17, s0;
	v12 =	vld [tilespmem:s7+$0x0]  }
0x12b: {  	s0 =	sor.u32 s30, s0;
	v13 =	vld [tilespmem:s6+$0x2000]  }
0x12c: {  	s1 =	sor.u32 $0x8000, s31;
	v17 =	vld [tilespmem:s0+$0x0]  }
0x12d: {  	s4 =	sadd.s32 s29, s1;
	v18 =	vld [tilespmem:s0+$0x2000]  }
0x12e: {  	s18 =	sor.u32 $0x4000, s31;
	s5 =	sadd.s32 s26, s4;
	v16 =	vld [tilespmem:s6+$0x0]  }
0x12f: {  	[dreg:$0xc] =	wrdreg s18;
	s8 =	sadd.s32 s28, s4;
	v6 =	vld [tilespmem:s5+$0x0]  }
0x130: {  	s21 =	sadd.s32 s17, s4;
	v8 =	vld [tilespmem:s8+$0x0];
	s5 =	rddreg [dreg:$0xc]  }
0x131: {  	s7 =	sor.u32 $0x6000, s31;
	v11 =	vld [tilespmem:s21+$0x0];
	s8 =	sadd.s32 s30, s4;
	s3 =	sadd.s32 s29, s5  }
0x132: {  	s0 =	simm.s32 $0x200;
	[dreg:$0xd] =	wrdreg s7;
	v14 =	vld [tilespmem:s8+$0x0];
	s21 =	sadd.s32 s26, s3  }
0x133: {  	s18 =	rddreg [dreg:$0xd];
	s4 =	sadd.s32 s28, s3;
	v15 =	vld [tilespmem:s21+$0x0];
	s21 =	simm.s32 $0x40  }
.LBB2_19:
0x134: {  	s6 =	sadd.s32 s17, s3  }
0x135: {  	s5 =	sand.u32 $0x40, s21;
	v19 =	vld [tilespmem:s6+$0x0];
	vm1 =	veq.s32 v17, $0x1  }
0x136: {  	s8 =	sadd.s32 s30, s3;
	s7 =	sadd.s32 s29, s18;
	s29 =	sand.u32 $0xC00, s0;
	v17 =	vld [tilespmem:s4+$0x0];
	v18 =	vnsel vm1, $0x0, v18  }
0x137: {  	s3 =	sor.u32 s29, s31;
	s6 =	sor.u32 $0x30, s5;
	s18 =	sadd.s32 s30, s7;
	v5 =	vadd.f32 v18, v5;
	v18 =	vld [tilespmem:s8+$0x0]  }
0x138: {  	vm0 =	veq.s32 v10, $0x1;
	vm3 =	veq.s32 v16, $0x1;
	s8 =	sor.u32 s6, s3;
	v16 =	vld [tilespmem:s18+$0x0]  }
0x139: {  	vm2 =	veq.s32 v12, $0x1;
	v12 =	vnsel vm0, $0x0, v7;
	v7 =	vld [tilespmem:s8+$0x2000]  }
0x13a: {  	s30 =	smov.u32 s5;
	s5 =	sadd.s32 s17, s7;
	s18 =	sadd.s32 s29, s1;
	v13 =	vnsel vm3, $0x0, v13;
	v10 =	vld [tilespmem:s8+$0x0]  }
0x13b: {  	s17 =	sadd.s32 s6, s18;
	v5 =	vadd.f32 v13, v5;
	v13 =	vld [tilespmem:s5+$0x0]  }
0x13c: {  	v20 =	vnsel vm0, $0x0, v6;
	v9 =	vnsel vm2, $0x0, v9;
	v6 =	vld [tilespmem:s17+$0x0];
	s5 =	sadd.s32 s28, s7;
	s28 =	sor.u32 $0x20, s30;
	s7 =	sadd.s32 s26, s7  }
0x13d: {  	v21 =	vnsel vm2, $0x0, v8;
	v8 =	vnsel vm1, $0x0, v14;
	v14 =	vnsel vm3, $0x0, v19;
	s26 =	smov.u32 s6;
	s17 =	sor.u32 $0x10, s30;
	v19 =	vld [tilespmem:s5+$0x0];
	s6 =	sadd.s32 s28, s18  }
0x13e: {  	v2 =	vadd.f32 v8, v2;
	s8 =	sor.u32 s28, s3;
	s4 =	sor.u32 s17, s3;
	s3 =	sor.u32 s30, s3;
	v5 =	vadd.f32 v9, v5;
	v8 =	vld [tilespmem:s6+$0x0]  }
0x13f: {  	v11 =	vnsel vm3, $0x0, v11;
	v9 =	vnsel vm1, $0x0, v18;
	v16 =	vnsel vm1, $0x0, v16;
	v18 =	vld [tilespmem:s3+$0x2000]  }
0x140: {  	v5 =	vadd.f32 v12, v5;
	v3 =	vadd.f32 v16, v3;
	v12 =	vsel vm1, $0x3F800000, v0;
	v16 =	vld [tilespmem:s7+$0x0]  }
0x141: {  	v4 =	vadd.f32 v9, v4;
	v9 =	vld [tilespmem:s8+$0x2000];
	v1 =	vadd.f32 v12, v1;
	v12 =	vnsel vm3, $0x0, v13  }
0x142: {  	v2 =	vadd.f32 v11, v2;
	v13 =	vsel vm3, $0x3F800000, v0;
	v3 =	vadd.f32 v12, v3;
	v12 =	vld [tilespmem:s8+$0x0]  }
0x143: {  	p0 =	sne.s32 s21, $0x1C0;
	s7 =	sadd.s32 s17, s18;
	v4 =	vadd.f32 v14, v4;
	v11 =	vnsel vm2, $0x0, v19;
	v1 =	vadd.f32 v13, v1;
	v13 =	vld [tilespmem:s4+$0x2000]  }
.Ltmp8:
0x144: {  	v17 =	vnsel vm2, $0x0, v17;
	s8 =	rddreg [dreg:$0xc];
	v3 =	vadd.f32 v11, v3;
	v11 =	vld [tilespmem:s7+$0x0];
	(pc) =	sbr.rel @p0 .LBB2_19-.Ltmp8, $4  }
0x145: {  	v15 =	vnsel vm0, $0x0, v15;
	v14 =	vsel vm2, $0x3F800000, v0;
	v4 =	vadd.f32 v17, v4;
	v17 =	vld [tilespmem:s3+$0x0];
	s3 =	sadd.s32 s29, s8  }
0x146: {  	v2 =	vadd.f32 v21, v2;
	v1 =	vadd.f32 v14, v1;
	v14 =	vnsel vm0, $0x0, v16;
	v16 =	vld [tilespmem:s4+$0x0];
	s8 =	sadd.s32 s26, s3  }
0x147: {  	s0 =	sadd.s32 $0x200, s0;
	s7 =	sadd.s32 s30, s18;
	v4 =	vadd.f32 v15, v4;
	v3 =	vadd.f32 v14, v3;
	v14 =	vsel vm0, $0x3F800000, v0;
	v15 =	vld [tilespmem:s8+$0x0]  }
0x148: {  	s21 =	sadd.s32 $0x40, s21;
	v2 =	vadd.f32 v20, v2;
	s18 =	rddreg [dreg:$0xd];
	s4 =	sadd.s32 s28, s3;
	v1 =	vadd.f32 v14, v1;
	v14 =	vld [tilespmem:s7+$0x0]  }
0x149: {  	s0 =	sadd.s32 s17, s3;
	v53 =	vld [tilespmem:s4+$0x0]  }
0x14a: {  	s1 =	sadd.s32 s30, s3;
	s18 =	sadd.s32 s29, s18;
	vm1 =	veq.s32 v17, $0x1;
	v19 =	vld [tilespmem:s0+$0x0]  }
0x14b: {  	vm0 =	veq.s32 v10, $0x1;
	v54 =	vld [tilespmem:s1+$0x0];
	s21 =	sadd.s32 s30, s18;
	v18 =	vnsel vm1, $0x0, v18  }
0x14c: {  	vm3 =	veq.s32 v12, $0x1;
	vm2 =	veq.s32 v16, $0x1;
	v55 =	vld [tilespmem:s21+$0x0];
	v5 =	vadd.f32 v18, v5  }
0x14d: {  	s29 =	sadd.s32 s17, s18;
	v7 =	vnsel vm0, $0x0, v7;
	v9 =	vnsel vm3, $0x0, v9;
	v13 =	vnsel vm2, $0x0, v13  }
0x14e: {  	v6 =	vnsel vm0, $0x0, v6;
	v8 =	vnsel vm3, $0x0, v8;
	v56 =	vld [tilespmem:s29+$0x0];
	v5 =	vadd.f32 v13, v5  }
0x14f: {  	s30 =	sadd.s32 s28, s18;
	v57 =	vnsel vm0, $0x0, v15;
	v11 =	vnsel vm2, $0x0, v11;
	v59 =	vnsel vm1, $0x0, v14  }
0x150: {  	v61 =	vld [tilespmem:s30+$0x0];
	v58 =	vnsel vm3, $0x0, v53;
	v2 =	vadd.f32 v59, v2;
	v5 =	vadd.f32 v9, v5  }
0x151: {  	s31 =	sadd.s32 s26, s18;
	v60 =	vnsel vm2, $0x0, v19;
	v62 =	vnsel vm1, $0x0, v54;
	v16 =	vnsel vm1, $0x0, v55  }
0x152: {  	v63 =	vld [tilespmem:s31+$0x0];
	v3 =	vadd.f32 v16, v3;
	v5 =	vadd.f32 v7, v5;
	v7 =	vsel vm1, $0x3F800000, v0  }
0x153: {  	s25 =	sadd.s32 $0x1, s25;
	v4 =	vadd.f32 v62, v4;
	v1 =	vadd.f32 v7, v1;
	v7 =	vnsel vm2, $0x0, v56  }
0x154: {  	p0 =	sne.s32 s25, $0x10;
	v2 =	vadd.f32 v11, v2;
	v3 =	vadd.f32 v7, v3;
	v7 =	vsel vm2, $0x3F800000, v0  }
.Ltmp9:
0x155: {  	v4 =	vadd.f32 v60, v4;
	v1 =	vadd.f32 v7, v1;
	v7 =	vnsel vm3, $0x0, v61;
	(pc) =	sbr.rel @p0 .LBB2_18-.Ltmp9, $4  }
0x156: {  	v2 =	vadd.f32 v8, v2;
	v3 =	vadd.f32 v7, v3;
	v7 =	vsel vm3, $0x3F800000, v0  }
0x157: {  	v4 =	vadd.f32 v58, v4;
	v1 =	vadd.f32 v7, v1;
	v7 =	vnsel vm0, $0x0, v63  }
0x158: {  	v2 =	vadd.f32 v6, v2;
	v3 =	vadd.f32 v7, v3;
	v7 =	vsel vm0, $0x3F800000, v0  }
0x159: {  	v4 =	vadd.f32 v57, v4;
	v1 =	vadd.f32 v7, v1  }
0x15a: {  	[tilespmem:$0x14000] =	vst v5  }
0x15b: {  	[tilespmem:$0x14100] =	vst v3  }
0x15c: {  	[tilespmem:$0x14180] =	vst v2;
	s23 =	sadd.s32 $0x1, s23  }
0x15d: {  	[tilespmem:$0x14080] =	vst v4;
	p0 =	sne.s32 s23, s14  }
.Ltmp10:
0x15e: {  	s0 =	simm.s32 $0x14000;
	[tilespmem:$0x14200] =	vst v1;
	(pc) =	sbr.rel @p0 .LBB2_1-.Ltmp10, $4  }
0x15f: {  	[hbm4b:s13+s2] =	stream.linear.scatter [tilespmem:s0], [sflag:$0x3], $0x280, $0x38;
	[tilespmem:$0x14400] =	vst v63  }
0x160: {  	_ =	swait.ge [sflag:s22], $0x280  }
0x161: {  	[sflag:s22] =	ssyncset.done $0x0  }
0x162: {  	[sflag:s22] =	ssyncadd.s32 $0xFFFFFD80  }
0x163: {  	_ =	sfence.sel $0x180000  }
0x164: {  	[bflag:$0x0] =	sbarrier.arrive $0xFFFF  }
0x165: {  	_ =	strace $0x90000047  }
0x166: {  	s0 =	stileid.u32;
	[bflag:$0x2] =	sbarrier.arrive $0xFFFF  }
0x167: {  	p0 =	sne.s32 s0, $0x0;
	s0 =	rddreg [dreg:$0x3]  }
0x168: {  	s0 =	sadd.s32 @!p0 $0x100000, s0  }
0x169: {  	[sflag:s0] =	ssyncadd.tile.s32 @!p0 $0x1;
	_ =	shalt  }
.Lfunc_end2:
_tile_overlayer_lowered:
.L_overlay_start_2:
0x16a: {  	(tag) =	ssettag $0x2  }
0x16b: {  	s0 =	rddreg [dreg:$0x0];
	s2 =	stileid.u32  }
0x16c: {  	s1 =	rddreg [dreg:$0x1];
	p0 =	sne.s32 s2, $0x0  }
0x16d: {  	s3 =	rddreg [dreg:$0x2];
	[bflag:$0x3] =	sbarrier.arrive $0xFFFF;
	s2 =	simm.s32 @!p0 $0x1C03  }
0x16e: {  	[timem:s3], [sflag:s2] =	dma.local @!p0 [hbm:s0], s1  }
0x16f: {  	s0 =	simm.s32 @!p0 $0x3  }
0x170: {  	_ =	swait.ge @!p0 [sflag:s0], s1  }
0x171: {  	s1 =	ssub.s32 @!p0 $0x0, s1;
	[sflag:s0] =	ssyncset.done @!p0 $0x0  }
0x172: {  	[sflag:s0] =	ssyncadd.s32 @!p0 s1  }
0x173: {  	[bflag:$0x3] =	sbarrier.arrive $0xFFFF  }
0x174: {  	_ =	shalt  }

</sc_bundles>
